<compile_context>
chip_gen: v7x
topology: tpu7x:2x2x1
jax: 0.10.2.dev20260603
libtpu: 0.0.44.dev20260713+nightly
codegen_flags: <defaults>
</compile_context>

<pallas_src>
import functools

import jax
import jax.numpy as jnp
from jax import lax
from jax.experimental import pallas as pl
from jax.experimental.pallas import tpu as pltpu
from jax.experimental.pallas import tpu_sc as plsc

_VOCAB = 4096
_N = 8 * 2048
_NC, _NS, _L = 2, 16, 16
_NW = _NC * _NS
_ROWS_PER_W = _N // _NW
_K = 4
_NB = 4
_NCHUNK = _ROWS_PER_W // _K
_NG = _NCHUNK // _NB
_TPAD = _ROWS_PER_W + _L


def _lse_body(w_ref, out_ref):
    x = w_ref[...]
    m = jnp.max(x, axis=1, keepdims=True)
    s = jnp.sum(jnp.exp(x - m), axis=1, keepdims=True)
    out_ref[...] = m + jnp.log(s)


_R = 256


def _compute_lse(W):
    return pl.pallas_call(
        _lse_body,
        grid=(_VOCAB // _R,),
        in_specs=[pl.BlockSpec((_R, _VOCAB), lambda i: (i, 0))],
        out_specs=pl.BlockSpec((_R, 1), lambda i: (i, 0)),
        out_shape=jax.ShapeDtypeStruct((_VOCAB, 1), jnp.float32),
    )(W)


def _combine_body(hist_ref, lse_ref, tpart_ref, out_ref):
    counts = jnp.sum(hist_ref[...].astype(jnp.float32), axis=0,
                     keepdims=True)
    s_lse = jnp.dot(counts, lse_ref[...],
                    preferred_element_type=jnp.float32)
    s_tv = jnp.sum(tpart_ref[...])
    out_ref[...] = (s_lse - s_tv) / _N


def _combine(hist, lse2, tpart):
    return pl.pallas_call(
        _combine_body,
        out_shape=jax.ShapeDtypeStruct((1, 1), jnp.float32),
    )(hist, lse2, tpart)


@functools.partial(
    pl.kernel,
    mesh=plsc.VectorSubcoreMesh(core_axis_name="c", subcore_axis_name="s"),
    out_type=[
        jax.ShapeDtypeStruct((_N, _VOCAB), jnp.float32),
        jax.ShapeDtypeStruct((_NW, _L), jnp.float32),
        jax.ShapeDtypeStruct((_NC, _VOCAB), jnp.float32),
    ],
    scratch_types=[
        pltpu.VMEM((_ROWS_PER_W,), jnp.int32),
        pltpu.VMEM((_NCHUNK, _K), jnp.int32),
        pltpu.VMEM((_ROWS_PER_W,), jnp.int32),
        pltpu.VMEM((_ROWS_PER_W,), jnp.float32),
        pltpu.VMEM((_VOCAB // _NS,), jnp.float32),
        pltpu.VMEM((_NB, _K, _VOCAB), jnp.float32),
        pltpu.VMEM((_L,), jnp.float32),
        pltpu.VMEM_SHARED((_VOCAB,), jnp.float32),
        pltpu.VMEM_SHARED((_NS, 2, _K, _VOCAB), jnp.float32),
        pltpu.SemaphoreType.DMA((_NB,)),
        pltpu.SemaphoreType.DMA((_NB,)),
        pltpu.SemaphoreType.DMA((2,)),
        pltpu.SemaphoreType.DMA,
    ],
)
def _sc_gather(W_hbm, idx_hbm, idx2_hbm, tgt_hbm, out_hbm, part_hbm, hist_hbm,
               idx_v, idx2_v, tgt_v, ones_v, zsrc_v, rows_v, acc_v, hist_sh,
               sp_sh, gsems, csems, wsems, hsem):
    sid = lax.axis_index("s")
    cid = lax.axis_index("c")
    wid = sid * _NC + cid
    base = wid * _ROWS_PER_W
    pltpu.sync_copy(idx_hbm.at[pl.ds(base, _ROWS_PER_W)], idx_v)
    pltpu.sync_copy(idx2_hbm.at[pl.ds(wid * _NCHUNK, _NCHUNK)], idx2_v)
    pltpu.sync_copy(tgt_hbm.at[pl.ds(base, _ROWS_PER_W)], tgt_v)

    lanes = lax.iota(jnp.int32, _L)

    def _gather(c, b):
        return pltpu.async_copy(
            W_hbm.at[idx2_v.at[c]], rows_v.at[b], gsems.at[b])

    def _gather_wait(c, b):
        pltpu.make_async_copy(
            W_hbm.at[idx2_v.at[c]], rows_v.at[b],
            gsems.at[b]).wait()

    def _xb(b, s):
        return pltpu.async_copy(rows_v.at[b], sp_sh.at[sid, s], csems.at[b])

    def _xb_wait(b, s):
        pltpu.make_async_copy(rows_v.at[b], sp_sh.at[sid, s],
                              csems.at[b]).wait()

    def _wb(c, s):
        return pltpu.async_copy(
            sp_sh.at[sid, s], out_hbm.at[pl.ds(base + c * _K, _K)],
            wsems.at[s])

    def _wb_wait(c, s):
        pltpu.make_async_copy(
            sp_sh.at[sid, s], out_hbm.at[pl.ds(base + c * _K, _K)],
            wsems.at[s]).wait()

    _gather(0, 0)
    _gather(1, 1)

    _ZS = _VOCAB // _NS

    def obody(j, _):
        ones_v[pl.ds(j * _L, _L)] = jnp.ones((_L,), jnp.float32)
        return 0

    lax.fori_loop(0, _ROWS_PER_W // _L, obody, 0)

    def zb(j, _):
        zsrc_v[pl.ds(j * _L, _L)] = jnp.zeros((_L,), jnp.float32)
        return 0

    lax.fori_loop(0, _ZS // _L, zb, 0)
    pltpu.sync_copy(zsrc_v.at[pl.ds(0, _ZS)], hist_sh.at[pl.ds(sid * _ZS, _ZS)])
    plsc.subcore_barrier()
    cp_h = pltpu.async_copy(ones_v, hist_sh.at[idx_v], hsem, add=True)

    def _chunk_tvals(b, t16, accv):
        for j in range(_K):
            t_j = t16[b * _K + j]
            cbase = (t_j // _L) * _L
            sl = rows_v[b, j, pl.ds(cbase, _L)]
            accv = accv + jnp.where(lanes == (t_j % _L), sl, 0.0)
        return accv

    def body(g, acct):
        t16 = tgt_v[pl.ds(g * _L, _L)]
        for b in range(_NB):
            c = g * _NB + b
            s = b & 1
            _gather_wait(c, b)
            if b < 2:
                @pl.when(g > 0)
                def _():
                    _wb_wait(c - 2, s)
            else:
                _wb_wait(c - 2, s)
            _xb(b, s)
            b2 = (b + 2) % _NB
            if b < 2:
                _gather(c + 2, b2)
            else:
                @pl.when(g < _NG - 1)
                def _():
                    _gather(c + 2, b2)
            acct = _chunk_tvals(b, t16, acct)
            _xb_wait(b, s)
            _wb(c, s)
        return acct

    acct = lax.fori_loop(0, _NG, body, jnp.zeros((_L,), jnp.float32))
    _wb_wait(_NCHUNK - 2, 0)
    _wb_wait(_NCHUNK - 1, 1)

    acc_v[...] = acct
    pltpu.sync_copy(acc_v, part_hbm.at[wid])

    cp_h.wait()
    plsc.subcore_barrier()

    @pl.when(sid == 0)
    def _():
        pltpu.sync_copy(hist_sh, hist_hbm.at[cid])


def kernel(idx, targets, W):
    idx_flat = idx.reshape(_N).astype(jnp.int32)
    tgt_flat = targets.reshape(_N).astype(jnp.int32)
    lse2 = _compute_lse(W)
    logits_flat, tpart, hist = _sc_gather(
        W, idx_flat, idx_flat.reshape(_N // _K, _K), tgt_flat)
    loss = _combine(hist, lse2, tpart)[0, 0]
    return (logits_flat, loss)

# --- scband reference (transcript-rebuilt; emitter-appended) ---
"""Pipeline reference for scband-bigram-langugage-model-9672266351033 (READ-ONLY COPY).

The authoritative reference and input builder live on the scoring server;
editing this copy changes nothing except your own understanding.
"""

import jax, jax.numpy as jnp
import numpy as np

VOCAB = 4096
B = 8
T = 2048


def setup_inputs(seed: int = 0) -> dict:
    key = jax.random.key(seed)
    k1, k2, k3 = jax.random.split(key, 3)
    idx = jax.random.randint(k1, (B, T), 0, VOCAB)
    targets = jax.random.randint(k2, (B, T), 0, VOCAB)
    # nn.Embedding default init: N(0, 1)
    W = jax.random.normal(k3, (VOCAB, VOCAB), dtype=jnp.float32)
    return {"idx": idx, "targets": targets, "W": W}


def reference(idx, targets, W):
    # logits = self.embeddings(idx)  -> [B, T, C]
    logits = jnp.take(W, idx, axis=0)
    Bq, Tq, C = logits.shape
    logits_flat = logits.reshape(Bq * Tq, C)
    targets_flat = targets.reshape(Bq * Tq)
    # F.cross_entropy(logits, targets) with mean reduction
    logp = jax.nn.log_softmax(logits_flat, axis=-1)
    nll = -jnp.take_along_axis(logp, targets_flat[:, None], axis=1)[:, 0]
    loss = jnp.mean(nll)
    return (logits_flat, loss)

if __name__ == "__main__":
    import jax
    _d = setup_inputs()
    print(jax.jit(kernel)(*tuple(_d.values())))

</pallas_src>

<mosaic_0001>
#map = affine_map<(d0, d1) -> (0, 0)>
#map1 = affine_map<(d0, d1) -> (0)>
module attributes {stable_mosaic.version = 14 : i64} {
  func.func @_sc_gather(%arg0: i32, %arg1: i32, %arg2: memref<4096x4096xf32, #tpu.memory_space<hbm>>, %arg3: memref<16384xi32, #tpu.memory_space<hbm>>, %arg4: memref<4096x4xi32, #tpu.memory_space<hbm>>, %arg5: memref<16384xi32, #tpu.memory_space<hbm>>, %arg6: memref<16384x4096xf32, #tpu.memory_space<hbm>>, %arg7: memref<32x16xf32, #tpu.memory_space<hbm>>, %arg8: memref<2x4096xf32, #tpu.memory_space<hbm>>, %arg9: memref<512xi32, #tpu.memory_space<vmem>>, %arg10: memref<128x4xi32, #tpu.memory_space<vmem>>, %arg11: memref<512xi32, #tpu.memory_space<vmem>>, %arg12: memref<512xf32, #tpu.memory_space<vmem>>, %arg13: memref<256xf32, #tpu.memory_space<vmem>>, %arg14: memref<4x4x4096xf32, #tpu.memory_space<vmem>>, %arg15: memref<16xf32, #tpu.memory_space<vmem>>, %arg16: memref<4096xf32, #tpu.memory_space<vmem_shared>>, %arg17: memref<16x2x4x4096xf32, #tpu.memory_space<vmem_shared>>, %arg18: memref<4x!tpu.dma_semaphore, #tpu.memory_space<semaphore_mem>>, %arg19: memref<4x!tpu.dma_semaphore, #tpu.memory_space<semaphore_mem>>, %arg20: memref<2x!tpu.dma_semaphore, #tpu.memory_space<semaphore_mem>>, %arg21: memref<!tpu.dma_semaphore, #tpu.memory_space<semaphore_mem>>) attributes {dimension_semantics = [#tpu.dimension_semantics<core_parallel>, #tpu.dimension_semantics<subcore_parallel>], iteration_bounds = array<i64: 2, 16>, scalar_prefetch = 0 : i64, scratch_operands = 13 : i64, tpu.core_type = #tpu.core_type<sc_vector_subcore>, window_params = [{transform_indices = #map}, {transform_indices = #map1}, {transform_indices = #map}, {transform_indices = #map1}, {transform_indices = #map}, {transform_indices = #map}, {transform_indices = #map}]} {
    %mul3A = arith.constant 2 : i32
    %mul3A_0 = arith.muli %arg1, %mul3A : i32
    %add3A = arith.addi %mul3A_0, %arg0 : i32
    %mul3A_1 = arith.constant 512 : i32
    %mul3A_2 = arith.muli %add3A, %mul3A_1 : i32
    "tpu.region"() ({
      %run_scoped3A = tpu.sem_alloc : memref<!tpu.dma_semaphore, #tpu.memory_space<semaphore_mem>>
      %dma_start3A_89 = tpu.memref_slice %arg3[%mul3A_2] : memref<16384xi32, #tpu.memory_space<hbm>> -> memref<512xi32, #tpu.memory_space<hbm>>
      %dma_start3A_90 = tpu.memref_slice %arg3[%mul3A_2] : memref<16384xi32, #tpu.memory_space<hbm>> -> memref<512xi32, #tpu.memory_space<hbm>>
      tpu.enqueue_dma source(%dma_start3A_90 : memref<512xi32, #tpu.memory_space<hbm>>) target(%arg9 : memref<512xi32, #tpu.memory_space<vmem>>) target_semaphore(%run_scoped3A : memref<!tpu.dma_semaphore, #tpu.memory_space<semaphore_mem>>)
      %dma_wait3A_91 = tpu.memref_slice %arg3[%mul3A_2] : memref<16384xi32, #tpu.memory_space<hbm>> -> memref<512xi32, #tpu.memory_space<hbm>>
      %dma_wait3A_92 = tpu.memref_slice %arg3[%mul3A_2] : memref<16384xi32, #tpu.memory_space<hbm>> -> memref<512xi32, #tpu.memory_space<hbm>>
      tpu.wait_dma2 semaphore(%run_scoped3A : memref<!tpu.dma_semaphore, #tpu.memory_space<semaphore_mem>>) src(%dma_wait3A_92 : memref<512xi32, #tpu.memory_space<hbm>>) dst(%arg9 : memref<512xi32, #tpu.memory_space<vmem>>)
      tpu.yield
    }) : () -> ()
    %mul3A_3 = arith.constant 128 : i32
    %mul3A_4 = arith.muli %add3A, %mul3A_3 : i32
    "tpu.region"() ({
      %run_scoped3A = tpu.sem_alloc : memref<!tpu.dma_semaphore, #tpu.memory_space<semaphore_mem>>
      %dma_start3A_89 = arith.constant 0 : i32
      %dma_start3A_90 = tpu.memref_slice %arg4[%mul3A_4, %dma_start3A_89] : memref<4096x4xi32, #tpu.memory_space<hbm>> -> memref<128x4xi32, #tpu.memory_space<hbm>>
      %dma_start3A_91 = arith.constant 0 : i32
      %dma_start3A_92 = tpu.memref_slice %arg4[%mul3A_4, %dma_start3A_91] : memref<4096x4xi32, #tpu.memory_space<hbm>> -> memref<128x4xi32, #tpu.memory_space<hbm>>
      tpu.enqueue_dma source(%dma_start3A_92 : memref<128x4xi32, #tpu.memory_space<hbm>>) target(%arg10 : memref<128x4xi32, #tpu.memory_space<vmem>>) target_semaphore(%run_scoped3A : memref<!tpu.dma_semaphore, #tpu.memory_space<semaphore_mem>>)
      %dma_wait3A_93 = arith.constant 0 : i32
      %dma_wait3A_94 = tpu.memref_slice %arg4[%mul3A_4, %dma_wait3A_93] : memref<4096x4xi32, #tpu.memory_space<hbm>> -> memref<128x4xi32, #tpu.memory_space<hbm>>
      %dma_wait3A_95 = arith.constant 0 : i32
      %dma_wait3A_96 = tpu.memref_slice %arg4[%mul3A_4, %dma_wait3A_95] : memref<4096x4xi32, #tpu.memory_space<hbm>> -> memref<128x4xi32, #tpu.memory_space<hbm>>
      tpu.wait_dma2 semaphore(%run_scoped3A : memref<!tpu.dma_semaphore, #tpu.memory_space<semaphore_mem>>) src(%dma_wait3A_96 : memref<128x4xi32, #tpu.memory_space<hbm>>) dst(%arg10 : memref<128x4xi32, #tpu.memory_space<vmem>>)
      tpu.yield
    }) : () -> ()
    "tpu.region"() ({
      %run_scoped3A = tpu.sem_alloc : memref<!tpu.dma_semaphore, #tpu.memory_space<semaphore_mem>>
      %dma_start3A_89 = tpu.memref_slice %arg5[%mul3A_2] : memref<16384xi32, #tpu.memory_space<hbm>> -> memref<512xi32, #tpu.memory_space<hbm>>
      %dma_start3A_90 = tpu.memref_slice %arg5[%mul3A_2] : memref<16384xi32, #tpu.memory_space<hbm>> -> memref<512xi32, #tpu.memory_space<hbm>>
      tpu.enqueue_dma source(%dma_start3A_90 : memref<512xi32, #tpu.memory_space<hbm>>) target(%arg11 : memref<512xi32, #tpu.memory_space<vmem>>) target_semaphore(%run_scoped3A : memref<!tpu.dma_semaphore, #tpu.memory_space<semaphore_mem>>)
      %dma_wait3A_91 = tpu.memref_slice %arg5[%mul3A_2] : memref<16384xi32, #tpu.memory_space<hbm>> -> memref<512xi32, #tpu.memory_space<hbm>>
      %dma_wait3A_92 = tpu.memref_slice %arg5[%mul3A_2] : memref<16384xi32, #tpu.memory_space<hbm>> -> memref<512xi32, #tpu.memory_space<hbm>>
      tpu.wait_dma2 semaphore(%run_scoped3A : memref<!tpu.dma_semaphore, #tpu.memory_space<semaphore_mem>>) src(%dma_wait3A_92 : memref<512xi32, #tpu.memory_space<hbm>>) dst(%arg11 : memref<512xi32, #tpu.memory_space<vmem>>)
      tpu.yield
    }) : () -> ()
    %iota3A = tpu.iota {dimensions = array<i32: 0>} : vector<16xi32>
    %dma_start3A = arith.constant 0 : i32
    %dma_start3A_5 = arith.constant 0 : i32
    %dma_start3A_6 = arith.constant 0 : i32
    %dma_start3A_7 = arith.constant 0 : i32
    %dma_start3A_8 = arith.constant 0 : i32
    %dma_start3A_9 = tpu.memref_slice %arg14[%dma_start3A_5, %dma_start3A_7, %dma_start3A_8] : memref<4x4x4096xf32, #tpu.memory_space<vmem>> -> memref<1x4x4096xf32, #tpu.memory_space<vmem>>
    %dma_start3A_10 = tpu.memref_squeeze %dma_start3A_9 : memref<1x4x4096xf32, #tpu.memory_space<vmem>> -> memref<4x4096xf32, #tpu.memory_space<vmem>>
    %dma_start3A_11 = arith.constant 0 : i32
    %dma_start3A_12 = tpu.memref_slice %arg10[%dma_start3A, %dma_start3A_11] : memref<128x4xi32, #tpu.memory_space<vmem>> -> memref<1x4xi32, #tpu.memory_space<vmem>>
    %dma_start3A_13 = tpu.memref_squeeze %dma_start3A_12 : memref<1x4xi32, #tpu.memory_space<vmem>> -> memref<4xi32, #tpu.memory_space<vmem>>
    %dma_start3A_14 = arith.constant 0 : i32
    %dma_start3A_15 = arith.constant 0 : i32
    %dma_start3A_16 = tpu.memref_slice %arg2[%dma_start3A_14, %dma_start3A_15] : memref<4096x4096xf32, #tpu.memory_space<hbm>> -> memref<4096x4096xf32, #tpu.memory_space<hbm>>
    %dma_start3A_17 = tpu.memref_slice %arg18[%dma_start3A_6] : memref<4x!tpu.dma_semaphore, #tpu.memory_space<semaphore_mem>> -> memref<1x!tpu.dma_semaphore, #tpu.memory_space<semaphore_mem>>
    %dma_start3A_18 = tpu.memref_squeeze %dma_start3A_17 : memref<1x!tpu.dma_semaphore, #tpu.memory_space<semaphore_mem>> -> memref<!tpu.dma_semaphore, #tpu.memory_space<semaphore_mem>>
    tpu.enqueue_indirect_dma source(%dma_start3A_16 : memref<4096x4096xf32, #tpu.memory_space<hbm>>) target(%dma_start3A_10 : memref<4x4096xf32, #tpu.memory_space<vmem>>) offsets(%dma_start3A_13 : memref<4xi32, #tpu.memory_space<vmem>>) semaphore(%dma_start3A_18 : memref<!tpu.dma_semaphore, #tpu.memory_space<semaphore_mem>>)
    %dma_start3A_19 = arith.constant 1 : i32
    %dma_start3A_20 = arith.constant 1 : i32
    %dma_start3A_21 = arith.constant 1 : i32
    %dma_start3A_22 = arith.constant 0 : i32
    %dma_start3A_23 = arith.constant 0 : i32
    %dma_start3A_24 = tpu.memref_slice %arg14[%dma_start3A_20, %dma_start3A_22, %dma_start3A_23] : memref<4x4x4096xf32, #tpu.memory_space<vmem>> -> memref<1x4x4096xf32, #tpu.memory_space<vmem>>
    %dma_start3A_25 = tpu.memref_squeeze %dma_start3A_24 : memref<1x4x4096xf32, #tpu.memory_space<vmem>> -> memref<4x4096xf32, #tpu.memory_space<vmem>>
    %dma_start3A_26 = arith.constant 0 : i32
    %dma_start3A_27 = tpu.memref_slice %arg10[%dma_start3A_19, %dma_start3A_26] : memref<128x4xi32, #tpu.memory_space<vmem>> -> memref<1x4xi32, #tpu.memory_space<vmem>>
    %dma_start3A_28 = tpu.memref_squeeze %dma_start3A_27 : memref<1x4xi32, #tpu.memory_space<vmem>> -> memref<4xi32, #tpu.memory_space<vmem>>
    %dma_start3A_29 = arith.constant 0 : i32
    %dma_start3A_30 = arith.constant 0 : i32
    %dma_start3A_31 = tpu.memref_slice %arg2[%dma_start3A_29, %dma_start3A_30] : memref<4096x4096xf32, #tpu.memory_space<hbm>> -> memref<4096x4096xf32, #tpu.memory_space<hbm>>
    %dma_start3A_32 = tpu.memref_slice %arg18[%dma_start3A_21] : memref<4x!tpu.dma_semaphore, #tpu.memory_space<semaphore_mem>> -> memref<1x!tpu.dma_semaphore, #tpu.memory_space<semaphore_mem>>
    %dma_start3A_33 = tpu.memref_squeeze %dma_start3A_32 : memref<1x!tpu.dma_semaphore, #tpu.memory_space<semaphore_mem>> -> memref<!tpu.dma_semaphore, #tpu.memory_space<semaphore_mem>>
    tpu.enqueue_indirect_dma source(%dma_start3A_31 : memref<4096x4096xf32, #tpu.memory_space<hbm>>) target(%dma_start3A_25 : memref<4x4096xf32, #tpu.memory_space<vmem>>) offsets(%dma_start3A_28 : memref<4xi32, #tpu.memory_space<vmem>>) semaphore(%dma_start3A_33 : memref<!tpu.dma_semaphore, #tpu.memory_space<semaphore_mem>>)
    %scan3A = arith.constant 0 : i32
    %scan3A_34 = arith.constant 0 : i32
    %scan3A_35 = arith.constant 32 : i32
    %scan3A_36 = arith.addi %scan3A_34, %scan3A_35 : i32
    %scan3A_37 = arith.constant 1 : i32
    %scan3A_38 = scf.for %scan3A_89 = %scan3A_34 to %scan3A_36 step %scan3A_37 iter_args(%scan3A_90 = %scan3A) -> (i32)  : i32 {
      %broadcast_in_dim3A_91 = arith.constant 1.000000e+00 : f32
      %broadcast_in_dim3A_92 = vector.broadcast %broadcast_in_dim3A_91 : f32 to vector<16xf32>
      %mul3A_93 = arith.constant 16 : i32
      %mul3A_94 = arith.muli %scan3A_89, %mul3A_93 : i32
      %swap3A_95 = arith.index_cast %mul3A_94 : i32 to index
      %swap3A_96 = tpu.vector_load %arg12[%swap3A_95] {strides = array<i32>} : memref<512xf32, #tpu.memory_space<vmem>>, vector<16xf32>,
      %swap3A_97 = vector.shape_cast %swap3A_96 : vector<16xf32> to vector<16xf32>
      %swap3A_98 = vector.shape_cast %broadcast_in_dim3A_92 : vector<16xf32> to vector<16xf32>
      tpu.vector_store %arg12[%swap3A_95], %swap3A_98 {strides = array<i32>} : memref<512xf32, #tpu.memory_space<vmem>>, vector<16xf32>,
      %scan3A_99 = arith.constant 0 : i32
      scf.yield %scan3A_99 : i32
    }
    %scan3A_39 = arith.constant 32 : i32
    %scan3A_40 = arith.constant 0 : i32
    %scan3A_41 = arith.constant 0 : i32
    %scan3A_42 = arith.constant 16 : i32
    %scan3A_43 = arith.addi %scan3A_41, %scan3A_42 : i32
    %scan3A_44 = arith.constant 1 : i32
    %scan3A_45 = scf.for %scan3A_89 = %scan3A_41 to %scan3A_43 step %scan3A_44 iter_args(%scan3A_90 = %scan3A_40) -> (i32)  : i32 {
      %broadcast_in_dim3A_91 = arith.constant 0.000000e+00 : f32
      %broadcast_in_dim3A_92 = vector.broadcast %broadcast_in_dim3A_91 : f32 to vector<16xf32>
      %mul3A_93 = arith.constant 16 : i32
      %mul3A_94 = arith.muli %scan3A_89, %mul3A_93 : i32
      %swap3A_95 = arith.index_cast %mul3A_94 : i32 to index
      %swap3A_96 = tpu.vector_load %arg13[%swap3A_95] {strides = array<i32>} : memref<256xf32, #tpu.memory_space<vmem>>, vector<16xf32>,
      %swap3A_97 = vector.shape_cast %swap3A_96 : vector<16xf32> to vector<16xf32>
      %swap3A_98 = vector.shape_cast %broadcast_in_dim3A_92 : vector<16xf32> to vector<16xf32>
      tpu.vector_store %arg13[%swap3A_95], %swap3A_98 {strides = array<i32>} : memref<256xf32, #tpu.memory_space<vmem>>, vector<16xf32>,
      %scan3A_99 = arith.constant 0 : i32
      scf.yield %scan3A_99 : i32
    }
    %scan3A_46 = arith.constant 16 : i32
    %mul3A_47 = arith.constant 256 : i32
    %mul3A_48 = arith.muli %arg1, %mul3A_47 : i32
    "tpu.region"() ({
      %run_scoped3A = tpu.sem_alloc : memref<!tpu.dma_semaphore, #tpu.memory_space<semaphore_mem>>
      %dma_start3A_89 = arith.constant 0 : i32
      %dma_start3A_90 = tpu.memref_slice %arg13[%dma_start3A_89] : memref<256xf32, #tpu.memory_space<vmem>> -> memref<256xf32, #tpu.memory_space<vmem>>
      %dma_start3A_91 = tpu.memref_slice %arg16[%mul3A_48] : memref<4096xf32, #tpu.memory_space<vmem_shared>> -> memref<256xf32, #tpu.memory_space<vmem_shared>>
      %dma_start3A_92 = tpu.memref_slice %arg16[%mul3A_48] : memref<4096xf32, #tpu.memory_space<vmem_shared>> -> memref<256xf32, #tpu.memory_space<vmem_shared>>
      %dma_start3A_93 = arith.constant 0 : i32
      %dma_start3A_94 = tpu.memref_slice %arg13[%dma_start3A_93] : memref<256xf32, #tpu.memory_space<vmem>> -> memref<256xf32, #tpu.memory_space<vmem>>
      tpu.enqueue_dma source(%dma_start3A_94 : memref<256xf32, #tpu.memory_space<vmem>>) target(%dma_start3A_92 : memref<256xf32, #tpu.memory_space<vmem_shared>>) target_semaphore(%run_scoped3A : memref<!tpu.dma_semaphore, #tpu.memory_space<semaphore_mem>>)
      %dma_wait3A_95 = arith.constant 0 : i32
      %dma_wait3A_96 = tpu.memref_slice %arg13[%dma_wait3A_95] : memref<256xf32, #tpu.memory_space<vmem>> -> memref<256xf32, #tpu.memory_space<vmem>>
      %dma_wait3A_97 = tpu.memref_slice %arg16[%mul3A_48] : memref<4096xf32, #tpu.memory_space<vmem_shared>> -> memref<256xf32, #tpu.memory_space<vmem_shared>>
      %dma_wait3A_98 = tpu.memref_slice %arg16[%mul3A_48] : memref<4096xf32, #tpu.memory_space<vmem_shared>> -> memref<256xf32, #tpu.memory_space<vmem_shared>>
      %dma_wait3A_99 = arith.constant 0 : i32
      %dma_wait3A_100 = tpu.memref_slice %arg13[%dma_wait3A_99] : memref<256xf32, #tpu.memory_space<vmem>> -> memref<256xf32, #tpu.memory_space<vmem>>
      tpu.wait_dma2 semaphore(%run_scoped3A : memref<!tpu.dma_semaphore, #tpu.memory_space<semaphore_mem>>) src(%dma_wait3A_100 : memref<256xf32, #tpu.memory_space<vmem>>) dst(%dma_wait3A_98 : memref<256xf32, #tpu.memory_space<vmem_shared>>)
      tpu.yield
    }) : () -> ()
    %barrier3A = arith.constant 0 : index
    tpu.barrier barrier_id(%barrier3A)
    %dma_start3A_49 = arith.constant 0 : i32
    %dma_start3A_50 = tpu.memref_slice %arg16[%dma_start3A_49] : memref<4096xf32, #tpu.memory_space<vmem_shared>> -> memref<4096xf32, #tpu.memory_space<vmem_shared>>
    tpu.enqueue_indirect_dma source(%arg12 : memref<512xf32, #tpu.memory_space<vmem>>) target(%dma_start3A_50 : memref<4096xf32, #tpu.memory_space<vmem_shared>>) offsets(%arg9 : memref<512xi32, #tpu.memory_space<vmem>>) semaphore(%arg21 : memref<!tpu.dma_semaphore, #tpu.memory_space<semaphore_mem>>) {add = true}
    %broadcast_in_dim3A = arith.constant 0.000000e+00 : f32
    %broadcast_in_dim3A_51 = vector.broadcast %broadcast_in_dim3A : f32 to vector<16xf32>
    %scan3A_52 = arith.constant 0 : i32
    %scan3A_53 = arith.constant 32 : i32
    %scan3A_54 = arith.addi %scan3A_52, %scan3A_53 : i32
    %scan3A_55 = arith.constant 1 : i32
    %scan3A_56 = scf.for %scan3A_89 = %scan3A_52 to %scan3A_54 step %scan3A_55 iter_args(%scan3A_90 = %broadcast_in_dim3A_51) -> (vector<16xf32>)  : i32 {
      %mul3A_91 = arith.constant 16 : i32
      %mul3A_92 = arith.muli %scan3A_89, %mul3A_91 : i32
      %get3A = arith.index_cast %mul3A_92 : i32 to index
      %get3A_93 = tpu.vector_load %arg11[%get3A] {strides = array<i32>} : memref<512xi32, #tpu.memory_space<vmem>>, vector<16xi32>,
      %get3A_94 = vector.shape_cast %get3A_93 : vector<16xi32> to vector<16xi32>
      %mul3A_95 = arith.constant 4 : i32
      %mul3A_96 = arith.muli %scan3A_89, %mul3A_95 : i32
      %add3A_97 = arith.constant 0 : i32
      %add3A_98 = arith.addi %mul3A_96, %add3A_97 : i32
      %dma_wait3A_99 = arith.constant 0 : i32
      %dma_wait3A_100 = arith.constant 0 : i32
      %dma_wait3A_101 = arith.constant 0 : i32
      %dma_wait3A_102 = arith.constant 0 : i32
      %dma_wait3A_103 = tpu.memref_slice %arg14[%dma_wait3A_99, %dma_wait3A_101, %dma_wait3A_102] : memref<4x4x4096xf32, #tpu.memory_space<vmem>> -> memref<1x4x4096xf32, #tpu.memory_space<vmem>>
      %dma_wait3A_104 = tpu.memref_squeeze %dma_wait3A_103 : memref<1x4x4096xf32, #tpu.memory_space<vmem>> -> memref<4x4096xf32, #tpu.memory_space<vmem>>
      %dma_wait3A_105 = arith.constant 0 : i32
      %dma_wait3A_106 = tpu.memref_slice %arg10[%add3A_98, %dma_wait3A_105] : memref<128x4xi32, #tpu.memory_space<vmem>> -> memref<1x4xi32, #tpu.memory_space<vmem>>
      %dma_wait3A_107 = tpu.memref_squeeze %dma_wait3A_106 : memref<1x4xi32, #tpu.memory_space<vmem>> -> memref<4xi32, #tpu.memory_space<vmem>>
      %dma_wait3A_108 = arith.constant 0 : i32
      %dma_wait3A_109 = arith.constant 0 : i32
      %dma_wait3A_110 = tpu.memref_slice %arg2[%dma_wait3A_108, %dma_wait3A_109] : memref<4096x4096xf32, #tpu.memory_space<hbm>> -> memref<4096x4096xf32, #tpu.memory_space<hbm>>
      %dma_wait3A_111 = tpu.memref_slice %arg18[%dma_wait3A_100] : memref<4x!tpu.dma_semaphore, #tpu.memory_space<semaphore_mem>> -> memref<1x!tpu.dma_semaphore, #tpu.memory_space<semaphore_mem>>
      %dma_wait3A_112 = tpu.memref_squeeze %dma_wait3A_111 : memref<1x!tpu.dma_semaphore, #tpu.memory_space<semaphore_mem>> -> memref<!tpu.dma_semaphore, #tpu.memory_space<semaphore_mem>>
      tpu.wait_indirect_dma semaphore(%dma_wait3A_112 : memref<!tpu.dma_semaphore, #tpu.memory_space<semaphore_mem>>) src(%dma_wait3A_110 : memref<4096x4096xf32, #tpu.memory_space<hbm>>) dst(%dma_wait3A_104 : memref<4x4096xf32, #tpu.memory_space<vmem>>)
      %gt3A = arith.constant 0 : i32
      %gt3A_113 = arith.cmpi sgt, %scan3A_89, %gt3A : i32
      %convert_element_type3A_114 = arith.extui %gt3A_113 : i1 to i32
      %cond3A_115 = arith.constant 0 : i32
      %cond3A_116 = arith.cmpi ne, %convert_element_type3A_114, %cond3A_115 : i32
      scf.if %cond3A_116 {
        %sub3A_1369 = arith.constant 2 : i32
        %sub3A_1370 = arith.subi %add3A_98, %sub3A_1369 : i32
        %mul3A_1371 = arith.constant 4 : i32
        %mul3A_1372 = arith.muli %sub3A_1370, %mul3A_1371 : i32
        %add3A_1373 = arith.addi %mul3A_2, %mul3A_1372 : i32
        %dma_wait3A_1374 = arith.constant 0 : i32
        %dma_wait3A_1375 = arith.constant 0 : i32
        %dma_wait3A_1376 = tpu.memref_slice %arg20[%dma_wait3A_1375] : memref<2x!tpu.dma_semaphore, #tpu.memory_space<semaphore_mem>> -> memref<1x!tpu.dma_semaphore, #tpu.memory_space<semaphore_mem>>
        %dma_wait3A_1377 = tpu.memref_squeeze %dma_wait3A_1376 : memref<1x!tpu.dma_semaphore, #tpu.memory_space<semaphore_mem>> -> memref<!tpu.dma_semaphore, #tpu.memory_space<semaphore_mem>>
        %dma_wait3A_1378 = arith.constant 0 : i32
        %dma_wait3A_1379 = tpu.memref_slice %arg6[%add3A_1373, %dma_wait3A_1378] : memref<16384x4096xf32, #tpu.memory_space<hbm>> -> memref<4x4096xf32, #tpu.memory_space<hbm>>
        %dma_wait3A_1380 = arith.constant 0 : i32
        %dma_wait3A_1381 = arith.constant 0 : i32
        %dma_wait3A_1382 = tpu.memref_slice %arg17[%arg1, %dma_wait3A_1374, %dma_wait3A_1380, %dma_wait3A_1381] : memref<16x2x4x4096xf32, #tpu.memory_space<vmem_shared>> -> memref<1x1x4x4096xf32, #tpu.memory_space<vmem_shared>>
        %dma_wait3A_1383 = tpu.memref_squeeze %dma_wait3A_1382 : memref<1x1x4x4096xf32, #tpu.memory_space<vmem_shared>> -> memref<4x4096xf32, #tpu.memory_space<vmem_shared>>
        tpu.wait_dma2 semaphore(%dma_wait3A_1377 : memref<!tpu.dma_semaphore, #tpu.memory_space<semaphore_mem>>) src(%dma_wait3A_1383 : memref<4x4096xf32, #tpu.memory_space<vmem_shared>>) dst(%dma_wait3A_1379 : memref<4x4096xf32, #tpu.memory_space<hbm>>)
      } else {
      }
      %dma_start3A_117 = arith.constant 0 : i32
      %dma_start3A_118 = arith.constant 0 : i32
      %dma_start3A_119 = arith.constant 0 : i32
      %dma_start3A_120 = arith.constant 0 : i32
      %dma_start3A_121 = arith.constant 0 : i32
      %dma_start3A_122 = tpu.memref_slice %arg14[%dma_start3A_117, %dma_start3A_120, %dma_start3A_121] : memref<4x4x4096xf32, #tpu.memory_space<vmem>> -> memref<1x4x4096xf32, #tpu.memory_space<vmem>>
      %dma_start3A_123 = tpu.memref_squeeze %dma_start3A_122 : memref<1x4x4096xf32, #tpu.memory_space<vmem>> -> memref<4x4096xf32, #tpu.memory_space<vmem>>
      %dma_start3A_124 = arith.constant 0 : i32
      %dma_start3A_125 = arith.constant 0 : i32
      %dma_start3A_126 = tpu.memref_slice %arg17[%arg1, %dma_start3A_118, %dma_start3A_124, %dma_start3A_125] : memref<16x2x4x4096xf32, #tpu.memory_space<vmem_shared>> -> memref<1x1x4x4096xf32, #tpu.memory_space<vmem_shared>>
      %dma_start3A_127 = tpu.memref_squeeze %dma_start3A_126 : memref<1x1x4x4096xf32, #tpu.memory_space<vmem_shared>> -> memref<4x4096xf32, #tpu.memory_space<vmem_shared>>
      %dma_start3A_128 = tpu.memref_slice %arg19[%dma_start3A_119] : memref<4x!tpu.dma_semaphore, #tpu.memory_space<semaphore_mem>> -> memref<1x!tpu.dma_semaphore, #tpu.memory_space<semaphore_mem>>
      %dma_start3A_129 = tpu.memref_squeeze %dma_start3A_128 : memref<1x!tpu.dma_semaphore, #tpu.memory_space<semaphore_mem>> -> memref<!tpu.dma_semaphore, #tpu.memory_space<semaphore_mem>>
      %dma_start3A_130 = arith.constant 0 : i32
      %dma_start3A_131 = arith.constant 0 : i32
      %dma_start3A_132 = tpu.memref_slice %arg17[%arg1, %dma_start3A_118, %dma_start3A_130, %dma_start3A_131] : memref<16x2x4x4096xf32, #tpu.memory_space<vmem_shared>> -> memref<1x1x4x4096xf32, #tpu.memory_space<vmem_shared>>
      %dma_start3A_133 = tpu.memref_squeeze %dma_start3A_132 : memref<1x1x4x4096xf32, #tpu.memory_space<vmem_shared>> -> memref<4x4096xf32, #tpu.memory_space<vmem_shared>>
      %dma_start3A_134 = arith.constant 0 : i32
      %dma_start3A_135 = arith.constant 0 : i32
      %dma_start3A_136 = tpu.memref_slice %arg14[%dma_start3A_117, %dma_start3A_134, %dma_start3A_135] : memref<4x4x4096xf32, #tpu.memory_space<vmem>> -> memref<1x4x4096xf32, #tpu.memory_space<vmem>>
      %dma_start3A_137 = tpu.memref_squeeze %dma_start3A_136 : memref<1x4x4096xf32, #tpu.memory_space<vmem>> -> memref<4x4096xf32, #tpu.memory_space<vmem>>
      tpu.enqueue_dma source(%dma_start3A_137 : memref<4x4096xf32, #tpu.memory_space<vmem>>) target(%dma_start3A_133 : memref<4x4096xf32, #tpu.memory_space<vmem_shared>>) target_semaphore(%dma_start3A_129 : memref<!tpu.dma_semaphore, #tpu.memory_space<semaphore_mem>>)
      %add3A_138 = arith.constant 2 : i32
      %add3A_139 = arith.addi %add3A_98, %add3A_138 : i32
      %dma_start3A_140 = arith.constant 2 : i32
      %dma_start3A_141 = arith.constant 2 : i32
      %dma_start3A_142 = arith.constant 0 : i32
      %dma_start3A_143 = arith.constant 0 : i32
      %dma_start3A_144 = tpu.memref_slice %arg14[%dma_start3A_140, %dma_start3A_142, %dma_start3A_143] : memref<4x4x4096xf32, #tpu.memory_space<vmem>> -> memref<1x4x4096xf32, #tpu.memory_space<vmem>>
      %dma_start3A_145 = tpu.memref_squeeze %dma_start3A_144 : memref<1x4x4096xf32, #tpu.memory_space<vmem>> -> memref<4x4096xf32, #tpu.memory_space<vmem>>
      %dma_start3A_146 = arith.constant 0 : i32
      %dma_start3A_147 = tpu.memref_slice %arg10[%add3A_139, %dma_start3A_146] : memref<128x4xi32, #tpu.memory_space<vmem>> -> memref<1x4xi32, #tpu.memory_space<vmem>>
      %dma_start3A_148 = tpu.memref_squeeze %dma_start3A_147 : memref<1x4xi32, #tpu.memory_space<vmem>> -> memref<4xi32, #tpu.memory_space<vmem>>
      %dma_start3A_149 = arith.constant 0 : i32
      %dma_start3A_150 = arith.constant 0 : i32
      %dma_start3A_151 = tpu.memref_slice %arg2[%dma_start3A_149, %dma_start3A_150] : memref<4096x4096xf32, #tpu.memory_space<hbm>> -> memref<4096x4096xf32, #tpu.memory_space<hbm>>
      %dma_start3A_152 = tpu.memref_slice %arg18[%dma_start3A_141] : memref<4x!tpu.dma_semaphore, #tpu.memory_space<semaphore_mem>> -> memref<1x!tpu.dma_semaphore, #tpu.memory_space<semaphore_mem>>
      %dma_start3A_153 = tpu.memref_squeeze %dma_start3A_152 : memref<1x!tpu.dma_semaphore, #tpu.memory_space<semaphore_mem>> -> memref<!tpu.dma_semaphore, #tpu.memory_space<semaphore_mem>>
      tpu.enqueue_indirect_dma source(%dma_start3A_151 : memref<4096x4096xf32, #tpu.memory_space<hbm>>) target(%dma_start3A_145 : memref<4x4096xf32, #tpu.memory_space<vmem>>) offsets(%dma_start3A_148 : memref<4xi32, #tpu.memory_space<vmem>>) semaphore(%dma_start3A_153 : memref<!tpu.dma_semaphore, #tpu.memory_space<semaphore_mem>>)
      %slice3A = vector.extract_strided_slice %get3A_94 {offsets = [0], sizes = [1], strides = [1]} : vector<16xi32> to vector<1xi32>
      %squeeze3A = vector.extract %slice3A[0] : i32 from vector<1xi32>
      %jit3A = arith.constant 16 : i32
      %div3A = arith.divsi %squeeze3A, %jit3A : i32
      %sign3A = arith.constant 0 : i32
      %sign3A_154 = arith.cmpi sgt, %squeeze3A, %sign3A : i32
      %sign3A_155 = arith.extui %sign3A_154 : i1 to i32
      %sign3A_156 = arith.constant 0 : i32
      %sign3A_157 = arith.cmpi slt, %squeeze3A, %sign3A_156 : i32
      %sign3A_158 = arith.extui %sign3A_157 : i1 to i32
      %sign3A_159 = arith.subi %sign3A_155, %sign3A_158 : i32
      %sign3A_160 = arith.constant 0 : i32
      %sign3A_161 = arith.cmpi sgt, %jit3A, %sign3A_160 : i32
      %sign3A_162 = arith.extui %sign3A_161 : i1 to i32
      %sign3A_163 = arith.constant 0 : i32
      %sign3A_164 = arith.cmpi slt, %jit3A, %sign3A_163 : i32
      %sign3A_165 = arith.extui %sign3A_164 : i1 to i32
      %sign3A_166 = arith.subi %sign3A_162, %sign3A_165 : i32
      %ne3A = arith.cmpi ne, %sign3A_159, %sign3A_166 : i32
      %rem3A = arith.remsi %squeeze3A, %jit3A : i32
      %ne3A_167 = arith.constant 0 : i32
      %ne3A_168 = arith.cmpi ne, %rem3A, %ne3A_167 : i32
      %and3A = arith.andi %ne3A, %ne3A_168 : i1
      %sub3A = arith.constant 1 : i32
      %sub3A_169 = arith.subi %div3A, %sub3A : i32
      %select_n3A = arith.select %and3A, %sub3A_169, %div3A : i32
      %mul3A_170 = arith.constant 16 : i32
      %mul3A_171 = arith.muli %select_n3A, %mul3A_170 : i32
      %get3A_172 = arith.constant 0 : i32
      %get3A_173 = arith.constant 0 : i32
      %get3A_174 = arith.index_cast %get3A_172 : i32 to index
      %get3A_175 = arith.index_cast %get3A_173 : i32 to index
      %get3A_176 = arith.index_cast %mul3A_171 : i32 to index
      %get3A_177 = tpu.vector_load %arg14[%get3A_174, %get3A_175, %get3A_176] {strides = array<i32>} : memref<4x4x4096xf32, #tpu.memory_space<vmem>>, vector<1x1x16xf32>,
      %get3A_178 = vector.shape_cast %get3A_177 : vector<1x1x16xf32> to vector<16xf32>
      %jit3A_179 = arith.constant 16 : i32
      %eq3A_180 = arith.constant 0 : i32
      %eq3A_181 = arith.cmpi eq, %jit3A_179, %eq3A_180 : i32
      %jit3A_182 = arith.constant 1 : i32
      %select_n3A_183 = arith.select %eq3A_181, %jit3A_182, %jit3A_179 : i32
      %rem3A_184 = arith.remsi %squeeze3A, %select_n3A_183 : i32
      %ne3A_185 = arith.constant 0 : i32
      %ne3A_186 = arith.cmpi ne, %rem3A_184, %ne3A_185 : i32
      %lt3A = arith.constant 0 : i32
      %lt3A_187 = arith.cmpi slt, %rem3A_184, %lt3A : i32
      %lt3A_188 = arith.constant 0 : i32
      %lt3A_189 = arith.cmpi slt, %select_n3A_183, %lt3A_188 : i32
      %ne3A_190 = arith.xori %lt3A_187, %lt3A_189 : i1
      %and3A_191 = arith.andi %ne3A_190, %ne3A_186 : i1
      %add3A_192 = arith.addi %rem3A_184, %select_n3A_183 : i32
      %select_n3A_193 = arith.select %and3A_191, %add3A_192, %rem3A_184 : i32
      %eq3A_194 = vector.broadcast %select_n3A_193 : i32 to vector<16xi32>
      %eq3A_195 = arith.cmpi eq, %iota3A, %eq3A_194 : vector<16xi32>
      %jit3A_196 = arith.constant 0.000000e+00 : f32
      %broadcast_in_dim3A_197 = vector.broadcast %jit3A_196 : f32 to vector<16xf32>
      %select_n3A_198 = arith.select %eq3A_195, %get3A_178, %broadcast_in_dim3A_197 : vector<16xi1>, vector<16xf32>
      %add3A_199 = arith.addf %scan3A_90, %select_n3A_198 : vector<16xf32>
      %slice3A_200 = vector.extract_strided_slice %get3A_94 {offsets = [1], sizes = [1], strides = [1]} : vector<16xi32> to vector<1xi32>
      %squeeze3A_201 = vector.extract %slice3A_200[0] : i32 from vector<1xi32>
      %jit3A_202 = arith.constant 16 : i32
      %div3A_203 = arith.divsi %squeeze3A_201, %jit3A_202 : i32
      %sign3A_204 = arith.constant 0 : i32
      %sign3A_205 = arith.cmpi sgt, %squeeze3A_201, %sign3A_204 : i32
      %sign3A_206 = arith.extui %sign3A_205 : i1 to i32
      %sign3A_207 = arith.constant 0 : i32
      %sign3A_208 = arith.cmpi slt, %squeeze3A_201, %sign3A_207 : i32
      %sign3A_209 = arith.extui %sign3A_208 : i1 to i32
      %sign3A_210 = arith.subi %sign3A_206, %sign3A_209 : i32
      %sign3A_211 = arith.constant 0 : i32
      %sign3A_212 = arith.cmpi sgt, %jit3A_202, %sign3A_211 : i32
      %sign3A_213 = arith.extui %sign3A_212 : i1 to i32
      %sign3A_214 = arith.constant 0 : i32
      %sign3A_215 = arith.cmpi slt, %jit3A_202, %sign3A_214 : i32
      %sign3A_216 = arith.extui %sign3A_215 : i1 to i32
      %sign3A_217 = arith.subi %sign3A_213, %sign3A_216 : i32
      %ne3A_218 = arith.cmpi ne, %sign3A_210, %sign3A_217 : i32
      %rem3A_219 = arith.remsi %squeeze3A_201, %jit3A_202 : i32
      %ne3A_220 = arith.constant 0 : i32
      %ne3A_221 = arith.cmpi ne, %rem3A_219, %ne3A_220 : i32
      %and3A_222 = arith.andi %ne3A_218, %ne3A_221 : i1
      %sub3A_223 = arith.constant 1 : i32
      %sub3A_224 = arith.subi %div3A_203, %sub3A_223 : i32
      %select_n3A_225 = arith.select %and3A_222, %sub3A_224, %div3A_203 : i32
      %mul3A_226 = arith.constant 16 : i32
      %mul3A_227 = arith.muli %select_n3A_225, %mul3A_226 : i32
      %get3A_228 = arith.constant 0 : i32
      %get3A_229 = arith.constant 1 : i32
      %get3A_230 = arith.index_cast %get3A_228 : i32 to index
      %get3A_231 = arith.index_cast %get3A_229 : i32 to index
      %get3A_232 = arith.index_cast %mul3A_227 : i32 to index
      %get3A_233 = tpu.vector_load %arg14[%get3A_230, %get3A_231, %get3A_232] {strides = array<i32>} : memref<4x4x4096xf32, #tpu.memory_space<vmem>>, vector<1x1x16xf32>,
      %get3A_234 = vector.shape_cast %get3A_233 : vector<1x1x16xf32> to vector<16xf32>
      %jit3A_235 = arith.constant 16 : i32
      %eq3A_236 = arith.constant 0 : i32
      %eq3A_237 = arith.cmpi eq, %jit3A_235, %eq3A_236 : i32
      %jit3A_238 = arith.constant 1 : i32
      %select_n3A_239 = arith.select %eq3A_237, %jit3A_238, %jit3A_235 : i32
      %rem3A_240 = arith.remsi %squeeze3A_201, %select_n3A_239 : i32
      %ne3A_241 = arith.constant 0 : i32
      %ne3A_242 = arith.cmpi ne, %rem3A_240, %ne3A_241 : i32
      %lt3A_243 = arith.constant 0 : i32
      %lt3A_244 = arith.cmpi slt, %rem3A_240, %lt3A_243 : i32
      %lt3A_245 = arith.constant 0 : i32
      %lt3A_246 = arith.cmpi slt, %select_n3A_239, %lt3A_245 : i32
      %ne3A_247 = arith.xori %lt3A_244, %lt3A_246 : i1
      %and3A_248 = arith.andi %ne3A_247, %ne3A_242 : i1
      %add3A_249 = arith.addi %rem3A_240, %select_n3A_239 : i32
      %select_n3A_250 = arith.select %and3A_248, %add3A_249, %rem3A_240 : i32
      %eq3A_251 = vector.broadcast %select_n3A_250 : i32 to vector<16xi32>
      %eq3A_252 = arith.cmpi eq, %iota3A, %eq3A_251 : vector<16xi32>
      %jit3A_253 = arith.constant 0.000000e+00 : f32
      %broadcast_in_dim3A_254 = vector.broadcast %jit3A_253 : f32 to vector<16xf32>
      %select_n3A_255 = arith.select %eq3A_252, %get3A_234, %broadcast_in_dim3A_254 : vector<16xi1>, vector<16xf32>
      %add3A_256 = arith.addf %add3A_199, %select_n3A_255 : vector<16xf32>
      %slice3A_257 = vector.extract_strided_slice %get3A_94 {offsets = [2], sizes = [1], strides = [1]} : vector<16xi32> to vector<1xi32>
      %squeeze3A_258 = vector.extract %slice3A_257[0] : i32 from vector<1xi32>
      %jit3A_259 = arith.constant 16 : i32
      %div3A_260 = arith.divsi %squeeze3A_258, %jit3A_259 : i32
      %sign3A_261 = arith.constant 0 : i32
      %sign3A_262 = arith.cmpi sgt, %squeeze3A_258, %sign3A_261 : i32
      %sign3A_263 = arith.extui %sign3A_262 : i1 to i32
      %sign3A_264 = arith.constant 0 : i32
      %sign3A_265 = arith.cmpi slt, %squeeze3A_258, %sign3A_264 : i32
      %sign3A_266 = arith.extui %sign3A_265 : i1 to i32
      %sign3A_267 = arith.subi %sign3A_263, %sign3A_266 : i32
      %sign3A_268 = arith.constant 0 : i32
      %sign3A_269 = arith.cmpi sgt, %jit3A_259, %sign3A_268 : i32
      %sign3A_270 = arith.extui %sign3A_269 : i1 to i32
      %sign3A_271 = arith.constant 0 : i32
      %sign3A_272 = arith.cmpi slt, %jit3A_259, %sign3A_271 : i32
      %sign3A_273 = arith.extui %sign3A_272 : i1 to i32
      %sign3A_274 = arith.subi %sign3A_270, %sign3A_273 : i32
      %ne3A_275 = arith.cmpi ne, %sign3A_267, %sign3A_274 : i32
      %rem3A_276 = arith.remsi %squeeze3A_258, %jit3A_259 : i32
      %ne3A_277 = arith.constant 0 : i32
      %ne3A_278 = arith.cmpi ne, %rem3A_276, %ne3A_277 : i32
      %and3A_279 = arith.andi %ne3A_275, %ne3A_278 : i1
      %sub3A_280 = arith.constant 1 : i32
      %sub3A_281 = arith.subi %div3A_260, %sub3A_280 : i32
      %select_n3A_282 = arith.select %and3A_279, %sub3A_281, %div3A_260 : i32
      %mul3A_283 = arith.constant 16 : i32
      %mul3A_284 = arith.muli %select_n3A_282, %mul3A_283 : i32
      %get3A_285 = arith.constant 0 : i32
      %get3A_286 = arith.constant 2 : i32
      %get3A_287 = arith.index_cast %get3A_285 : i32 to index
      %get3A_288 = arith.index_cast %get3A_286 : i32 to index
      %get3A_289 = arith.index_cast %mul3A_284 : i32 to index
      %get3A_290 = tpu.vector_load %arg14[%get3A_287, %get3A_288, %get3A_289] {strides = array<i32>} : memref<4x4x4096xf32, #tpu.memory_space<vmem>>, vector<1x1x16xf32>,
      %get3A_291 = vector.shape_cast %get3A_290 : vector<1x1x16xf32> to vector<16xf32>
      %jit3A_292 = arith.constant 16 : i32
      %eq3A_293 = arith.constant 0 : i32
      %eq3A_294 = arith.cmpi eq, %jit3A_292, %eq3A_293 : i32
      %jit3A_295 = arith.constant 1 : i32
      %select_n3A_296 = arith.select %eq3A_294, %jit3A_295, %jit3A_292 : i32
      %rem3A_297 = arith.remsi %squeeze3A_258, %select_n3A_296 : i32
      %ne3A_298 = arith.constant 0 : i32
      %ne3A_299 = arith.cmpi ne, %rem3A_297, %ne3A_298 : i32
      %lt3A_300 = arith.constant 0 : i32
      %lt3A_301 = arith.cmpi slt, %rem3A_297, %lt3A_300 : i32
      %lt3A_302 = arith.constant 0 : i32
      %lt3A_303 = arith.cmpi slt, %select_n3A_296, %lt3A_302 : i32
      %ne3A_304 = arith.xori %lt3A_301, %lt3A_303 : i1
      %and3A_305 = arith.andi %ne3A_304, %ne3A_299 : i1
      %add3A_306 = arith.addi %rem3A_297, %select_n3A_296 : i32
      %select_n3A_307 = arith.select %and3A_305, %add3A_306, %rem3A_297 : i32
      %eq3A_308 = vector.broadcast %select_n3A_307 : i32 to vector<16xi32>
      %eq3A_309 = arith.cmpi eq, %iota3A, %eq3A_308 : vector<16xi32>
      %jit3A_310 = arith.constant 0.000000e+00 : f32
      %broadcast_in_dim3A_311 = vector.broadcast %jit3A_310 : f32 to vector<16xf32>
      %select_n3A_312 = arith.select %eq3A_309, %get3A_291, %broadcast_in_dim3A_311 : vector<16xi1>, vector<16xf32>
      %add3A_313 = arith.addf %add3A_256, %select_n3A_312 : vector<16xf32>
      %slice3A_314 = vector.extract_strided_slice %get3A_94 {offsets = [3], sizes = [1], strides = [1]} : vector<16xi32> to vector<1xi32>
      %squeeze3A_315 = vector.extract %slice3A_314[0] : i32 from vector<1xi32>
      %jit3A_316 = arith.constant 16 : i32
      %div3A_317 = arith.divsi %squeeze3A_315, %jit3A_316 : i32
      %sign3A_318 = arith.constant 0 : i32
      %sign3A_319 = arith.cmpi sgt, %squeeze3A_315, %sign3A_318 : i32
      %sign3A_320 = arith.extui %sign3A_319 : i1 to i32
      %sign3A_321 = arith.constant 0 : i32
      %sign3A_322 = arith.cmpi slt, %squeeze3A_315, %sign3A_321 : i32
      %sign3A_323 = arith.extui %sign3A_322 : i1 to i32
      %sign3A_324 = arith.subi %sign3A_320, %sign3A_323 : i32
      %sign3A_325 = arith.constant 0 : i32
      %sign3A_326 = arith.cmpi sgt, %jit3A_316, %sign3A_325 : i32
      %sign3A_327 = arith.extui %sign3A_326 : i1 to i32
      %sign3A_328 = arith.constant 0 : i32
      %sign3A_329 = arith.cmpi slt, %jit3A_316, %sign3A_328 : i32
      %sign3A_330 = arith.extui %sign3A_329 : i1 to i32
      %sign3A_331 = arith.subi %sign3A_327, %sign3A_330 : i32
      %ne3A_332 = arith.cmpi ne, %sign3A_324, %sign3A_331 : i32
      %rem3A_333 = arith.remsi %squeeze3A_315, %jit3A_316 : i32
      %ne3A_334 = arith.constant 0 : i32
      %ne3A_335 = arith.cmpi ne, %rem3A_333, %ne3A_334 : i32
      %and3A_336 = arith.andi %ne3A_332, %ne3A_335 : i1
      %sub3A_337 = arith.constant 1 : i32
      %sub3A_338 = arith.subi %div3A_317, %sub3A_337 : i32
      %select_n3A_339 = arith.select %and3A_336, %sub3A_338, %div3A_317 : i32
      %mul3A_340 = arith.constant 16 : i32
      %mul3A_341 = arith.muli %select_n3A_339, %mul3A_340 : i32
      %get3A_342 = arith.constant 0 : i32
      %get3A_343 = arith.constant 3 : i32
      %get3A_344 = arith.index_cast %get3A_342 : i32 to index
      %get3A_345 = arith.index_cast %get3A_343 : i32 to index
      %get3A_346 = arith.index_cast %mul3A_341 : i32 to index
      %get3A_347 = tpu.vector_load %arg14[%get3A_344, %get3A_345, %get3A_346] {strides = array<i32>} : memref<4x4x4096xf32, #tpu.memory_space<vmem>>, vector<1x1x16xf32>,
      %get3A_348 = vector.shape_cast %get3A_347 : vector<1x1x16xf32> to vector<16xf32>
      %jit3A_349 = arith.constant 16 : i32
      %eq3A_350 = arith.constant 0 : i32
      %eq3A_351 = arith.cmpi eq, %jit3A_349, %eq3A_350 : i32
      %jit3A_352 = arith.constant 1 : i32
      %select_n3A_353 = arith.select %eq3A_351, %jit3A_352, %jit3A_349 : i32
      %rem3A_354 = arith.remsi %squeeze3A_315, %select_n3A_353 : i32
      %ne3A_355 = arith.constant 0 : i32
      %ne3A_356 = arith.cmpi ne, %rem3A_354, %ne3A_355 : i32
      %lt3A_357 = arith.constant 0 : i32
      %lt3A_358 = arith.cmpi slt, %rem3A_354, %lt3A_357 : i32
      %lt3A_359 = arith.constant 0 : i32
      %lt3A_360 = arith.cmpi slt, %select_n3A_353, %lt3A_359 : i32
      %ne3A_361 = arith.xori %lt3A_358, %lt3A_360 : i1
      %and3A_362 = arith.andi %ne3A_361, %ne3A_356 : i1
      %add3A_363 = arith.addi %rem3A_354, %select_n3A_353 : i32
      %select_n3A_364 = arith.select %and3A_362, %add3A_363, %rem3A_354 : i32
      %eq3A_365 = vector.broadcast %select_n3A_364 : i32 to vector<16xi32>
      %eq3A_366 = arith.cmpi eq, %iota3A, %eq3A_365 : vector<16xi32>
      %jit3A_367 = arith.constant 0.000000e+00 : f32
      %broadcast_in_dim3A_368 = vector.broadcast %jit3A_367 : f32 to vector<16xf32>
      %select_n3A_369 = arith.select %eq3A_366, %get3A_348, %broadcast_in_dim3A_368 : vector<16xi1>, vector<16xf32>
      %add3A_370 = arith.addf %add3A_313, %select_n3A_369 : vector<16xf32>
      %dma_wait3A_371 = arith.constant 0 : i32
      %dma_wait3A_372 = arith.constant 0 : i32
      %dma_wait3A_373 = arith.constant 0 : i32
      %dma_wait3A_374 = arith.constant 0 : i32
      %dma_wait3A_375 = arith.constant 0 : i32
      %dma_wait3A_376 = tpu.memref_slice %arg14[%dma_wait3A_371, %dma_wait3A_374, %dma_wait3A_375] : memref<4x4x4096xf32, #tpu.memory_space<vmem>> -> memref<1x4x4096xf32, #tpu.memory_space<vmem>>
      %dma_wait3A_377 = tpu.memref_squeeze %dma_wait3A_376 : memref<1x4x4096xf32, #tpu.memory_space<vmem>> -> memref<4x4096xf32, #tpu.memory_space<vmem>>
      %dma_wait3A_378 = arith.constant 0 : i32
      %dma_wait3A_379 = arith.constant 0 : i32
      %dma_wait3A_380 = tpu.memref_slice %arg17[%arg1, %dma_wait3A_372, %dma_wait3A_378, %dma_wait3A_379] : memref<16x2x4x4096xf32, #tpu.memory_space<vmem_shared>> -> memref<1x1x4x4096xf32, #tpu.memory_space<vmem_shared>>
      %dma_wait3A_381 = tpu.memref_squeeze %dma_wait3A_380 : memref<1x1x4x4096xf32, #tpu.memory_space<vmem_shared>> -> memref<4x4096xf32, #tpu.memory_space<vmem_shared>>
      %dma_wait3A_382 = tpu.memref_slice %arg19[%dma_wait3A_373] : memref<4x!tpu.dma_semaphore, #tpu.memory_space<semaphore_mem>> -> memref<1x!tpu.dma_semaphore, #tpu.memory_space<semaphore_mem>>
      %dma_wait3A_383 = tpu.memref_squeeze %dma_wait3A_382 : memref<1x!tpu.dma_semaphore, #tpu.memory_space<semaphore_mem>> -> memref<!tpu.dma_semaphore, #tpu.memory_space<semaphore_mem>>
      %dma_wait3A_384 = arith.constant 0 : i32
      %dma_wait3A_385 = arith.constant 0 : i32
      %dma_wait3A_386 = tpu.memref_slice %arg17[%arg1, %dma_wait3A_372, %dma_wait3A_384, %dma_wait3A_385] : memref<16x2x4x4096xf32, #tpu.memory_space<vmem_shared>> -> memref<1x1x4x4096xf32, #tpu.memory_space<vmem_shared>>
      %dma_wait3A_387 = tpu.memref_squeeze %dma_wait3A_386 : memref<1x1x4x4096xf32, #tpu.memory_space<vmem_shared>> -> memref<4x4096xf32, #tpu.memory_space<vmem_shared>>
      %dma_wait3A_388 = arith.constant 0 : i32
      %dma_wait3A_389 = arith.constant 0 : i32
      %dma_wait3A_390 = tpu.memref_slice %arg14[%dma_wait3A_371, %dma_wait3A_388, %dma_wait3A_389] : memref<4x4x4096xf32, #tpu.memory_space<vmem>> -> memref<1x4x4096xf32, #tpu.memory_space<vmem>>
      %dma_wait3A_391 = tpu.memref_squeeze %dma_wait3A_390 : memref<1x4x4096xf32, #tpu.memory_space<vmem>> -> memref<4x4096xf32, #tpu.memory_space<vmem>>
      tpu.wait_dma2 semaphore(%dma_wait3A_383 : memref<!tpu.dma_semaphore, #tpu.memory_space<semaphore_mem>>) src(%dma_wait3A_391 : memref<4x4096xf32, #tpu.memory_space<vmem>>) dst(%dma_wait3A_387 : memref<4x4096xf32, #tpu.memory_space<vmem_shared>>)
      %mul3A_392 = arith.constant 4 : i32
      %mul3A_393 = arith.muli %add3A_98, %mul3A_392 : i32
      %add3A_394 = arith.addi %mul3A_2, %mul3A_393 : i32
      %dma_start3A_395 = arith.constant 0 : i32
      %dma_start3A_396 = arith.constant 0 : i32
      %dma_start3A_397 = tpu.memref_slice %arg20[%dma_start3A_396] : memref<2x!tpu.dma_semaphore, #tpu.memory_space<semaphore_mem>> -> memref<1x!tpu.dma_semaphore, #tpu.memory_space<semaphore_mem>>
      %dma_start3A_398 = tpu.memref_squeeze %dma_start3A_397 : memref<1x!tpu.dma_semaphore, #tpu.memory_space<semaphore_mem>> -> memref<!tpu.dma_semaphore, #tpu.memory_space<semaphore_mem>>
      %dma_start3A_399 = arith.constant 0 : i32
      %dma_start3A_400 = tpu.memref_slice %arg6[%add3A_394, %dma_start3A_399] : memref<16384x4096xf32, #tpu.memory_space<hbm>> -> memref<4x4096xf32, #tpu.memory_space<hbm>>
      %dma_start3A_401 = arith.constant 0 : i32
      %dma_start3A_402 = arith.constant 0 : i32
      %dma_start3A_403 = tpu.memref_slice %arg17[%arg1, %dma_start3A_395, %dma_start3A_401, %dma_start3A_402] : memref<16x2x4x4096xf32, #tpu.memory_space<vmem_shared>> -> memref<1x1x4x4096xf32, #tpu.memory_space<vmem_shared>>
      %dma_start3A_404 = tpu.memref_squeeze %dma_start3A_403 : memref<1x1x4x4096xf32, #tpu.memory_space<vmem_shared>> -> memref<4x4096xf32, #tpu.memory_space<vmem_shared>>
      tpu.enqueue_dma source(%dma_start3A_404 : memref<4x4096xf32, #tpu.memory_space<vmem_shared>>) target(%dma_start3A_400 : memref<4x4096xf32, #tpu.memory_space<hbm>>) target_semaphore(%dma_start3A_398 : memref<!tpu.dma_semaphore, #tpu.memory_space<semaphore_mem>>)
      %mul3A_405 = arith.constant 4 : i32
      %mul3A_406 = arith.muli %scan3A_89, %mul3A_405 : i32
      %add3A_407 = arith.constant 1 : i32
      %add3A_408 = arith.addi %mul3A_406, %add3A_407 : i32
      %dma_wait3A_409 = arith.constant 1 : i32
      %dma_wait3A_410 = arith.constant 1 : i32
      %dma_wait3A_411 = arith.constant 0 : i32
      %dma_wait3A_412 = arith.constant 0 : i32
      %dma_wait3A_413 = tpu.memref_slice %arg14[%dma_wait3A_409, %dma_wait3A_411, %dma_wait3A_412] : memref<4x4x4096xf32, #tpu.memory_space<vmem>> -> memref<1x4x4096xf32, #tpu.memory_space<vmem>>
      %dma_wait3A_414 = tpu.memref_squeeze %dma_wait3A_413 : memref<1x4x4096xf32, #tpu.memory_space<vmem>> -> memref<4x4096xf32, #tpu.memory_space<vmem>>
      %dma_wait3A_415 = arith.constant 0 : i32
      %dma_wait3A_416 = tpu.memref_slice %arg10[%add3A_408, %dma_wait3A_415] : memref<128x4xi32, #tpu.memory_space<vmem>> -> memref<1x4xi32, #tpu.memory_space<vmem>>
      %dma_wait3A_417 = tpu.memref_squeeze %dma_wait3A_416 : memref<1x4xi32, #tpu.memory_space<vmem>> -> memref<4xi32, #tpu.memory_space<vmem>>
      %dma_wait3A_418 = arith.constant 0 : i32
      %dma_wait3A_419 = arith.constant 0 : i32
      %dma_wait3A_420 = tpu.memref_slice %arg2[%dma_wait3A_418, %dma_wait3A_419] : memref<4096x4096xf32, #tpu.memory_space<hbm>> -> memref<4096x4096xf32, #tpu.memory_space<hbm>>
      %dma_wait3A_421 = tpu.memref_slice %arg18[%dma_wait3A_410] : memref<4x!tpu.dma_semaphore, #tpu.memory_space<semaphore_mem>> -> memref<1x!tpu.dma_semaphore, #tpu.memory_space<semaphore_mem>>
      %dma_wait3A_422 = tpu.memref_squeeze %dma_wait3A_421 : memref<1x!tpu.dma_semaphore, #tpu.memory_space<semaphore_mem>> -> memref<!tpu.dma_semaphore, #tpu.memory_space<semaphore_mem>>
      tpu.wait_indirect_dma semaphore(%dma_wait3A_422 : memref<!tpu.dma_semaphore, #tpu.memory_space<semaphore_mem>>) src(%dma_wait3A_420 : memref<4096x4096xf32, #tpu.memory_space<hbm>>) dst(%dma_wait3A_414 : memref<4x4096xf32, #tpu.memory_space<vmem>>)
      %gt3A_423 = arith.constant 0 : i32
      %gt3A_424 = arith.cmpi sgt, %scan3A_89, %gt3A_423 : i32
      %convert_element_type3A_425 = arith.extui %gt3A_424 : i1 to i32
      %cond3A_426 = arith.constant 0 : i32
      %cond3A_427 = arith.cmpi ne, %convert_element_type3A_425, %cond3A_426 : i32
      scf.if %cond3A_427 {
        %sub3A_1369 = arith.constant 2 : i32
        %sub3A_1370 = arith.subi %add3A_408, %sub3A_1369 : i32
        %mul3A_1371 = arith.constant 4 : i32
        %mul3A_1372 = arith.muli %sub3A_1370, %mul3A_1371 : i32
        %add3A_1373 = arith.addi %mul3A_2, %mul3A_1372 : i32
        %dma_wait3A_1374 = arith.constant 1 : i32
        %dma_wait3A_1375 = arith.constant 1 : i32
        %dma_wait3A_1376 = tpu.memref_slice %arg20[%dma_wait3A_1375] : memref<2x!tpu.dma_semaphore, #tpu.memory_space<semaphore_mem>> -> memref<1x!tpu.dma_semaphore, #tpu.memory_space<semaphore_mem>>
        %dma_wait3A_1377 = tpu.memref_squeeze %dma_wait3A_1376 : memref<1x!tpu.dma_semaphore, #tpu.memory_space<semaphore_mem>> -> memref<!tpu.dma_semaphore, #tpu.memory_space<semaphore_mem>>
        %dma_wait3A_1378 = arith.constant 0 : i32
        %dma_wait3A_1379 = tpu.memref_slice %arg6[%add3A_1373, %dma_wait3A_1378] : memref<16384x4096xf32, #tpu.memory_space<hbm>> -> memref<4x4096xf32, #tpu.memory_space<hbm>>
        %dma_wait3A_1380 = arith.constant 0 : i32
        %dma_wait3A_1381 = arith.constant 0 : i32
        %dma_wait3A_1382 = tpu.memref_slice %arg17[%arg1, %dma_wait3A_1374, %dma_wait3A_1380, %dma_wait3A_1381] : memref<16x2x4x4096xf32, #tpu.memory_space<vmem_shared>> -> memref<1x1x4x4096xf32, #tpu.memory_space<vmem_shared>>
        %dma_wait3A_1383 = tpu.memref_squeeze %dma_wait3A_1382 : memref<1x1x4x4096xf32, #tpu.memory_space<vmem_shared>> -> memref<4x4096xf32, #tpu.memory_space<vmem_shared>>
        tpu.wait_dma2 semaphore(%dma_wait3A_1377 : memref<!tpu.dma_semaphore, #tpu.memory_space<semaphore_mem>>) src(%dma_wait3A_1383 : memref<4x4096xf32, #tpu.memory_space<vmem_shared>>) dst(%dma_wait3A_1379 : memref<4x4096xf32, #tpu.memory_space<hbm>>)
      } else {
      }
      %dma_start3A_428 = arith.constant 1 : i32
      %dma_start3A_429 = arith.constant 1 : i32
      %dma_start3A_430 = arith.constant 1 : i32
      %dma_start3A_431 = arith.constant 0 : i32
      %dma_start3A_432 = arith.constant 0 : i32
      %dma_start3A_433 = tpu.memref_slice %arg14[%dma_start3A_428, %dma_start3A_431, %dma_start3A_432] : memref<4x4x4096xf32, #tpu.memory_space<vmem>> -> memref<1x4x4096xf32, #tpu.memory_space<vmem>>
      %dma_start3A_434 = tpu.memref_squeeze %dma_start3A_433 : memref<1x4x4096xf32, #tpu.memory_space<vmem>> -> memref<4x4096xf32, #tpu.memory_space<vmem>>
      %dma_start3A_435 = arith.constant 0 : i32
      %dma_start3A_436 = arith.constant 0 : i32
      %dma_start3A_437 = tpu.memref_slice %arg17[%arg1, %dma_start3A_429, %dma_start3A_435, %dma_start3A_436] : memref<16x2x4x4096xf32, #tpu.memory_space<vmem_shared>> -> memref<1x1x4x4096xf32, #tpu.memory_space<vmem_shared>>
      %dma_start3A_438 = tpu.memref_squeeze %dma_start3A_437 : memref<1x1x4x4096xf32, #tpu.memory_space<vmem_shared>> -> memref<4x4096xf32, #tpu.memory_space<vmem_shared>>
      %dma_start3A_439 = tpu.memref_slice %arg19[%dma_start3A_430] : memref<4x!tpu.dma_semaphore, #tpu.memory_space<semaphore_mem>> -> memref<1x!tpu.dma_semaphore, #tpu.memory_space<semaphore_mem>>
      %dma_start3A_440 = tpu.memref_squeeze %dma_start3A_439 : memref<1x!tpu.dma_semaphore, #tpu.memory_space<semaphore_mem>> -> memref<!tpu.dma_semaphore, #tpu.memory_space<semaphore_mem>>
      %dma_start3A_441 = arith.constant 0 : i32
      %dma_start3A_442 = arith.constant 0 : i32
      %dma_start3A_443 = tpu.memref_slice %arg17[%arg1, %dma_start3A_429, %dma_start3A_441, %dma_start3A_442] : memref<16x2x4x4096xf32, #tpu.memory_space<vmem_shared>> -> memref<1x1x4x4096xf32, #tpu.memory_space<vmem_shared>>
      %dma_start3A_444 = tpu.memref_squeeze %dma_start3A_443 : memref<1x1x4x4096xf32, #tpu.memory_space<vmem_shared>> -> memref<4x4096xf32, #tpu.memory_space<vmem_shared>>
      %dma_start3A_445 = arith.constant 0 : i32
      %dma_start3A_446 = arith.constant 0 : i32
      %dma_start3A_447 = tpu.memref_slice %arg14[%dma_start3A_428, %dma_start3A_445, %dma_start3A_446] : memref<4x4x4096xf32, #tpu.memory_space<vmem>> -> memref<1x4x4096xf32, #tpu.memory_space<vmem>>
      %dma_start3A_448 = tpu.memref_squeeze %dma_start3A_447 : memref<1x4x4096xf32, #tpu.memory_space<vmem>> -> memref<4x4096xf32, #tpu.memory_space<vmem>>
      tpu.enqueue_dma source(%dma_start3A_448 : memref<4x4096xf32, #tpu.memory_space<vmem>>) target(%dma_start3A_444 : memref<4x4096xf32, #tpu.memory_space<vmem_shared>>) target_semaphore(%dma_start3A_440 : memref<!tpu.dma_semaphore, #tpu.memory_space<semaphore_mem>>)
      %add3A_449 = arith.constant 2 : i32
      %add3A_450 = arith.addi %add3A_408, %add3A_449 : i32
      %dma_start3A_451 = arith.constant 3 : i32
      %dma_start3A_452 = arith.constant 3 : i32
      %dma_start3A_453 = arith.constant 0 : i32
      %dma_start3A_454 = arith.constant 0 : i32
      %dma_start3A_455 = tpu.memref_slice %arg14[%dma_start3A_451, %dma_start3A_453, %dma_start3A_454] : memref<4x4x4096xf32, #tpu.memory_space<vmem>> -> memref<1x4x4096xf32, #tpu.memory_space<vmem>>
      %dma_start3A_456 = tpu.memref_squeeze %dma_start3A_455 : memref<1x4x4096xf32, #tpu.memory_space<vmem>> -> memref<4x4096xf32, #tpu.memory_space<vmem>>
      %dma_start3A_457 = arith.constant 0 : i32
      %dma_start3A_458 = tpu.memref_slice %arg10[%add3A_450, %dma_start3A_457] : memref<128x4xi32, #tpu.memory_space<vmem>> -> memref<1x4xi32, #tpu.memory_space<vmem>>
      %dma_start3A_459 = tpu.memref_squeeze %dma_start3A_458 : memref<1x4xi32, #tpu.memory_space<vmem>> -> memref<4xi32, #tpu.memory_space<vmem>>
      %dma_start3A_460 = arith.constant 0 : i32
      %dma_start3A_461 = arith.constant 0 : i32
      %dma_start3A_462 = tpu.memref_slice %arg2[%dma_start3A_460, %dma_start3A_461] : memref<4096x4096xf32, #tpu.memory_space<hbm>> -> memref<4096x4096xf32, #tpu.memory_space<hbm>>
      %dma_start3A_463 = tpu.memref_slice %arg18[%dma_start3A_452] : memref<4x!tpu.dma_semaphore, #tpu.memory_space<semaphore_mem>> -> memref<1x!tpu.dma_semaphore, #tpu.memory_space<semaphore_mem>>
      %dma_start3A_464 = tpu.memref_squeeze %dma_start3A_463 : memref<1x!tpu.dma_semaphore, #tpu.memory_space<semaphore_mem>> -> memref<!tpu.dma_semaphore, #tpu.memory_space<semaphore_mem>>
      tpu.enqueue_indirect_dma source(%dma_start3A_462 : memref<4096x4096xf32, #tpu.memory_space<hbm>>) target(%dma_start3A_456 : memref<4x4096xf32, #tpu.memory_space<vmem>>) offsets(%dma_start3A_459 : memref<4xi32, #tpu.memory_space<vmem>>) semaphore(%dma_start3A_464 : memref<!tpu.dma_semaphore, #tpu.memory_space<semaphore_mem>>)
      %slice3A_465 = vector.extract_strided_slice %get3A_94 {offsets = [4], sizes = [1], strides = [1]} : vector<16xi32> to vector<1xi32>
      %squeeze3A_466 = vector.extract %slice3A_465[0] : i32 from vector<1xi32>
      %jit3A_467 = arith.constant 16 : i32
      %div3A_468 = arith.divsi %squeeze3A_466, %jit3A_467 : i32
      %sign3A_469 = arith.constant 0 : i32
      %sign3A_470 = arith.cmpi sgt, %squeeze3A_466, %sign3A_469 : i32
      %sign3A_471 = arith.extui %sign3A_470 : i1 to i32
      %sign3A_472 = arith.constant 0 : i32
      %sign3A_473 = arith.cmpi slt, %squeeze3A_466, %sign3A_472 : i32
      %sign3A_474 = arith.extui %sign3A_473 : i1 to i32
      %sign3A_475 = arith.subi %sign3A_471, %sign3A_474 : i32
      %sign3A_476 = arith.constant 0 : i32
      %sign3A_477 = arith.cmpi sgt, %jit3A_467, %sign3A_476 : i32
      %sign3A_478 = arith.extui %sign3A_477 : i1 to i32
      %sign3A_479 = arith.constant 0 : i32
      %sign3A_480 = arith.cmpi slt, %jit3A_467, %sign3A_479 : i32
      %sign3A_481 = arith.extui %sign3A_480 : i1 to i32
      %sign3A_482 = arith.subi %sign3A_478, %sign3A_481 : i32
      %ne3A_483 = arith.cmpi ne, %sign3A_475, %sign3A_482 : i32
      %rem3A_484 = arith.remsi %squeeze3A_466, %jit3A_467 : i32
      %ne3A_485 = arith.constant 0 : i32
      %ne3A_486 = arith.cmpi ne, %rem3A_484, %ne3A_485 : i32
      %and3A_487 = arith.andi %ne3A_483, %ne3A_486 : i1
      %sub3A_488 = arith.constant 1 : i32
      %sub3A_489 = arith.subi %div3A_468, %sub3A_488 : i32
      %select_n3A_490 = arith.select %and3A_487, %sub3A_489, %div3A_468 : i32
      %mul3A_491 = arith.constant 16 : i32
      %mul3A_492 = arith.muli %select_n3A_490, %mul3A_491 : i32
      %get3A_493 = arith.constant 1 : i32
      %get3A_494 = arith.constant 0 : i32
      %get3A_495 = arith.index_cast %get3A_493 : i32 to index
      %get3A_496 = arith.index_cast %get3A_494 : i32 to index
      %get3A_497 = arith.index_cast %mul3A_492 : i32 to index
      %get3A_498 = tpu.vector_load %arg14[%get3A_495, %get3A_496, %get3A_497] {strides = array<i32>} : memref<4x4x4096xf32, #tpu.memory_space<vmem>>, vector<1x1x16xf32>,
      %get3A_499 = vector.shape_cast %get3A_498 : vector<1x1x16xf32> to vector<16xf32>
      %jit3A_500 = arith.constant 16 : i32
      %eq3A_501 = arith.constant 0 : i32
      %eq3A_502 = arith.cmpi eq, %jit3A_500, %eq3A_501 : i32
      %jit3A_503 = arith.constant 1 : i32
      %select_n3A_504 = arith.select %eq3A_502, %jit3A_503, %jit3A_500 : i32
      %rem3A_505 = arith.remsi %squeeze3A_466, %select_n3A_504 : i32
      %ne3A_506 = arith.constant 0 : i32
      %ne3A_507 = arith.cmpi ne, %rem3A_505, %ne3A_506 : i32
      %lt3A_508 = arith.constant 0 : i32
      %lt3A_509 = arith.cmpi slt, %rem3A_505, %lt3A_508 : i32
      %lt3A_510 = arith.constant 0 : i32
      %lt3A_511 = arith.cmpi slt, %select_n3A_504, %lt3A_510 : i32
      %ne3A_512 = arith.xori %lt3A_509, %lt3A_511 : i1
      %and3A_513 = arith.andi %ne3A_512, %ne3A_507 : i1
      %add3A_514 = arith.addi %rem3A_505, %select_n3A_504 : i32
      %select_n3A_515 = arith.select %and3A_513, %add3A_514, %rem3A_505 : i32
      %eq3A_516 = vector.broadcast %select_n3A_515 : i32 to vector<16xi32>
      %eq3A_517 = arith.cmpi eq, %iota3A, %eq3A_516 : vector<16xi32>
      %jit3A_518 = arith.constant 0.000000e+00 : f32
      %broadcast_in_dim3A_519 = vector.broadcast %jit3A_518 : f32 to vector<16xf32>
      %select_n3A_520 = arith.select %eq3A_517, %get3A_499, %broadcast_in_dim3A_519 : vector<16xi1>, vector<16xf32>
      %add3A_521 = arith.addf %add3A_370, %select_n3A_520 : vector<16xf32>
      %slice3A_522 = vector.extract_strided_slice %get3A_94 {offsets = [5], sizes = [1], strides = [1]} : vector<16xi32> to vector<1xi32>
      %squeeze3A_523 = vector.extract %slice3A_522[0] : i32 from vector<1xi32>
      %jit3A_524 = arith.constant 16 : i32
      %div3A_525 = arith.divsi %squeeze3A_523, %jit3A_524 : i32
      %sign3A_526 = arith.constant 0 : i32
      %sign3A_527 = arith.cmpi sgt, %squeeze3A_523, %sign3A_526 : i32
      %sign3A_528 = arith.extui %sign3A_527 : i1 to i32
      %sign3A_529 = arith.constant 0 : i32
      %sign3A_530 = arith.cmpi slt, %squeeze3A_523, %sign3A_529 : i32
      %sign3A_531 = arith.extui %sign3A_530 : i1 to i32
      %sign3A_532 = arith.subi %sign3A_528, %sign3A_531 : i32
      %sign3A_533 = arith.constant 0 : i32
      %sign3A_534 = arith.cmpi sgt, %jit3A_524, %sign3A_533 : i32
      %sign3A_535 = arith.extui %sign3A_534 : i1 to i32
      %sign3A_536 = arith.constant 0 : i32
      %sign3A_537 = arith.cmpi slt, %jit3A_524, %sign3A_536 : i32
      %sign3A_538 = arith.extui %sign3A_537 : i1 to i32
      %sign3A_539 = arith.subi %sign3A_535, %sign3A_538 : i32
      %ne3A_540 = arith.cmpi ne, %sign3A_532, %sign3A_539 : i32
      %rem3A_541 = arith.remsi %squeeze3A_523, %jit3A_524 : i32
      %ne3A_542 = arith.constant 0 : i32
      %ne3A_543 = arith.cmpi ne, %rem3A_541, %ne3A_542 : i32
      %and3A_544 = arith.andi %ne3A_540, %ne3A_543 : i1
      %sub3A_545 = arith.constant 1 : i32
      %sub3A_546 = arith.subi %div3A_525, %sub3A_545 : i32
      %select_n3A_547 = arith.select %and3A_544, %sub3A_546, %div3A_525 : i32
      %mul3A_548 = arith.constant 16 : i32
      %mul3A_549 = arith.muli %select_n3A_547, %mul3A_548 : i32
      %get3A_550 = arith.constant 1 : i32
      %get3A_551 = arith.constant 1 : i32
      %get3A_552 = arith.index_cast %get3A_550 : i32 to index
      %get3A_553 = arith.index_cast %get3A_551 : i32 to index
      %get3A_554 = arith.index_cast %mul3A_549 : i32 to index
      %get3A_555 = tpu.vector_load %arg14[%get3A_552, %get3A_553, %get3A_554] {strides = array<i32>} : memref<4x4x4096xf32, #tpu.memory_space<vmem>>, vector<1x1x16xf32>,
      %get3A_556 = vector.shape_cast %get3A_555 : vector<1x1x16xf32> to vector<16xf32>
      %jit3A_557 = arith.constant 16 : i32
      %eq3A_558 = arith.constant 0 : i32
      %eq3A_559 = arith.cmpi eq, %jit3A_557, %eq3A_558 : i32
      %jit3A_560 = arith.constant 1 : i32
      %select_n3A_561 = arith.select %eq3A_559, %jit3A_560, %jit3A_557 : i32
      %rem3A_562 = arith.remsi %squeeze3A_523, %select_n3A_561 : i32
      %ne3A_563 = arith.constant 0 : i32
      %ne3A_564 = arith.cmpi ne, %rem3A_562, %ne3A_563 : i32
      %lt3A_565 = arith.constant 0 : i32
      %lt3A_566 = arith.cmpi slt, %rem3A_562, %lt3A_565 : i32
      %lt3A_567 = arith.constant 0 : i32
      %lt3A_568 = arith.cmpi slt, %select_n3A_561, %lt3A_567 : i32
      %ne3A_569 = arith.xori %lt3A_566, %lt3A_568 : i1
      %and3A_570 = arith.andi %ne3A_569, %ne3A_564 : i1
      %add3A_571 = arith.addi %rem3A_562, %select_n3A_561 : i32
      %select_n3A_572 = arith.select %and3A_570, %add3A_571, %rem3A_562 : i32
      %eq3A_573 = vector.broadcast %select_n3A_572 : i32 to vector<16xi32>
      %eq3A_574 = arith.cmpi eq, %iota3A, %eq3A_573 : vector<16xi32>
      %jit3A_575 = arith.constant 0.000000e+00 : f32
      %broadcast_in_dim3A_576 = vector.broadcast %jit3A_575 : f32 to vector<16xf32>
      %select_n3A_577 = arith.select %eq3A_574, %get3A_556, %broadcast_in_dim3A_576 : vector<16xi1>, vector<16xf32>
      %add3A_578 = arith.addf %add3A_521, %select_n3A_577 : vector<16xf32>
      %slice3A_579 = vector.extract_strided_slice %get3A_94 {offsets = [6], sizes = [1], strides = [1]} : vector<16xi32> to vector<1xi32>
      %squeeze3A_580 = vector.extract %slice3A_579[0] : i32 from vector<1xi32>
      %jit3A_581 = arith.constant 16 : i32
      %div3A_582 = arith.divsi %squeeze3A_580, %jit3A_581 : i32
      %sign3A_583 = arith.constant 0 : i32
      %sign3A_584 = arith.cmpi sgt, %squeeze3A_580, %sign3A_583 : i32
      %sign3A_585 = arith.extui %sign3A_584 : i1 to i32
      %sign3A_586 = arith.constant 0 : i32
      %sign3A_587 = arith.cmpi slt, %squeeze3A_580, %sign3A_586 : i32
      %sign3A_588 = arith.extui %sign3A_587 : i1 to i32
      %sign3A_589 = arith.subi %sign3A_585, %sign3A_588 : i32
      %sign3A_590 = arith.constant 0 : i32
      %sign3A_591 = arith.cmpi sgt, %jit3A_581, %sign3A_590 : i32
      %sign3A_592 = arith.extui %sign3A_591 : i1 to i32
      %sign3A_593 = arith.constant 0 : i32
      %sign3A_594 = arith.cmpi slt, %jit3A_581, %sign3A_593 : i32
      %sign3A_595 = arith.extui %sign3A_594 : i1 to i32
      %sign3A_596 = arith.subi %sign3A_592, %sign3A_595 : i32
      %ne3A_597 = arith.cmpi ne, %sign3A_589, %sign3A_596 : i32
      %rem3A_598 = arith.remsi %squeeze3A_580, %jit3A_581 : i32
      %ne3A_599 = arith.constant 0 : i32
      %ne3A_600 = arith.cmpi ne, %rem3A_598, %ne3A_599 : i32
      %and3A_601 = arith.andi %ne3A_597, %ne3A_600 : i1
      %sub3A_602 = arith.constant 1 : i32
      %sub3A_603 = arith.subi %div3A_582, %sub3A_602 : i32
      %select_n3A_604 = arith.select %and3A_601, %sub3A_603, %div3A_582 : i32
      %mul3A_605 = arith.constant 16 : i32
      %mul3A_606 = arith.muli %select_n3A_604, %mul3A_605 : i32
      %get3A_607 = arith.constant 1 : i32
      %get3A_608 = arith.constant 2 : i32
      %get3A_609 = arith.index_cast %get3A_607 : i32 to index
      %get3A_610 = arith.index_cast %get3A_608 : i32 to index
      %get3A_611 = arith.index_cast %mul3A_606 : i32 to index
      %get3A_612 = tpu.vector_load %arg14[%get3A_609, %get3A_610, %get3A_611] {strides = array<i32>} : memref<4x4x4096xf32, #tpu.memory_space<vmem>>, vector<1x1x16xf32>,
      %get3A_613 = vector.shape_cast %get3A_612 : vector<1x1x16xf32> to vector<16xf32>
      %jit3A_614 = arith.constant 16 : i32
      %eq3A_615 = arith.constant 0 : i32
      %eq3A_616 = arith.cmpi eq, %jit3A_614, %eq3A_615 : i32
      %jit3A_617 = arith.constant 1 : i32
      %select_n3A_618 = arith.select %eq3A_616, %jit3A_617, %jit3A_614 : i32
      %rem3A_619 = arith.remsi %squeeze3A_580, %select_n3A_618 : i32
      %ne3A_620 = arith.constant 0 : i32
      %ne3A_621 = arith.cmpi ne, %rem3A_619, %ne3A_620 : i32
      %lt3A_622 = arith.constant 0 : i32
      %lt3A_623 = arith.cmpi slt, %rem3A_619, %lt3A_622 : i32
      %lt3A_624 = arith.constant 0 : i32
      %lt3A_625 = arith.cmpi slt, %select_n3A_618, %lt3A_624 : i32
      %ne3A_626 = arith.xori %lt3A_623, %lt3A_625 : i1
      %and3A_627 = arith.andi %ne3A_626, %ne3A_621 : i1
      %add3A_628 = arith.addi %rem3A_619, %select_n3A_618 : i32
      %select_n3A_629 = arith.select %and3A_627, %add3A_628, %rem3A_619 : i32
      %eq3A_630 = vector.broadcast %select_n3A_629 : i32 to vector<16xi32>
      %eq3A_631 = arith.cmpi eq, %iota3A, %eq3A_630 : vector<16xi32>
      %jit3A_632 = arith.constant 0.000000e+00 : f32
      %broadcast_in_dim3A_633 = vector.broadcast %jit3A_632 : f32 to vector<16xf32>
      %select_n3A_634 = arith.select %eq3A_631, %get3A_613, %broadcast_in_dim3A_633 : vector<16xi1>, vector<16xf32>
      %add3A_635 = arith.addf %add3A_578, %select_n3A_634 : vector<16xf32>
      %slice3A_636 = vector.extract_strided_slice %get3A_94 {offsets = [7], sizes = [1], strides = [1]} : vector<16xi32> to vector<1xi32>
      %squeeze3A_637 = vector.extract %slice3A_636[0] : i32 from vector<1xi32>
      %jit3A_638 = arith.constant 16 : i32
      %div3A_639 = arith.divsi %squeeze3A_637, %jit3A_638 : i32
      %sign3A_640 = arith.constant 0 : i32
      %sign3A_641 = arith.cmpi sgt, %squeeze3A_637, %sign3A_640 : i32
      %sign3A_642 = arith.extui %sign3A_641 : i1 to i32
      %sign3A_643 = arith.constant 0 : i32
      %sign3A_644 = arith.cmpi slt, %squeeze3A_637, %sign3A_643 : i32
      %sign3A_645 = arith.extui %sign3A_644 : i1 to i32
      %sign3A_646 = arith.subi %sign3A_642, %sign3A_645 : i32
      %sign3A_647 = arith.constant 0 : i32
      %sign3A_648 = arith.cmpi sgt, %jit3A_638, %sign3A_647 : i32
      %sign3A_649 = arith.extui %sign3A_648 : i1 to i32
      %sign3A_650 = arith.constant 0 : i32
      %sign3A_651 = arith.cmpi slt, %jit3A_638, %sign3A_650 : i32
      %sign3A_652 = arith.extui %sign3A_651 : i1 to i32
      %sign3A_653 = arith.subi %sign3A_649, %sign3A_652 : i32
      %ne3A_654 = arith.cmpi ne, %sign3A_646, %sign3A_653 : i32
      %rem3A_655 = arith.remsi %squeeze3A_637, %jit3A_638 : i32
      %ne3A_656 = arith.constant 0 : i32
      %ne3A_657 = arith.cmpi ne, %rem3A_655, %ne3A_656 : i32
      %and3A_658 = arith.andi %ne3A_654, %ne3A_657 : i1
      %sub3A_659 = arith.constant 1 : i32
      %sub3A_660 = arith.subi %div3A_639, %sub3A_659 : i32
      %select_n3A_661 = arith.select %and3A_658, %sub3A_660, %div3A_639 : i32
      %mul3A_662 = arith.constant 16 : i32
      %mul3A_663 = arith.muli %select_n3A_661, %mul3A_662 : i32
      %get3A_664 = arith.constant 1 : i32
      %get3A_665 = arith.constant 3 : i32
      %get3A_666 = arith.index_cast %get3A_664 : i32 to index
      %get3A_667 = arith.index_cast %get3A_665 : i32 to index
      %get3A_668 = arith.index_cast %mul3A_663 : i32 to index
      %get3A_669 = tpu.vector_load %arg14[%get3A_666, %get3A_667, %get3A_668] {strides = array<i32>} : memref<4x4x4096xf32, #tpu.memory_space<vmem>>, vector<1x1x16xf32>,
      %get3A_670 = vector.shape_cast %get3A_669 : vector<1x1x16xf32> to vector<16xf32>
      %jit3A_671 = arith.constant 16 : i32
      %eq3A_672 = arith.constant 0 : i32
      %eq3A_673 = arith.cmpi eq, %jit3A_671, %eq3A_672 : i32
      %jit3A_674 = arith.constant 1 : i32
      %select_n3A_675 = arith.select %eq3A_673, %jit3A_674, %jit3A_671 : i32
      %rem3A_676 = arith.remsi %squeeze3A_637, %select_n3A_675 : i32
      %ne3A_677 = arith.constant 0 : i32
      %ne3A_678 = arith.cmpi ne, %rem3A_676, %ne3A_677 : i32
      %lt3A_679 = arith.constant 0 : i32
      %lt3A_680 = arith.cmpi slt, %rem3A_676, %lt3A_679 : i32
      %lt3A_681 = arith.constant 0 : i32
      %lt3A_682 = arith.cmpi slt, %select_n3A_675, %lt3A_681 : i32
      %ne3A_683 = arith.xori %lt3A_680, %lt3A_682 : i1
      %and3A_684 = arith.andi %ne3A_683, %ne3A_678 : i1
      %add3A_685 = arith.addi %rem3A_676, %select_n3A_675 : i32
      %select_n3A_686 = arith.select %and3A_684, %add3A_685, %rem3A_676 : i32
      %eq3A_687 = vector.broadcast %select_n3A_686 : i32 to vector<16xi32>
      %eq3A_688 = arith.cmpi eq, %iota3A, %eq3A_687 : vector<16xi32>
      %jit3A_689 = arith.constant 0.000000e+00 : f32
      %broadcast_in_dim3A_690 = vector.broadcast %jit3A_689 : f32 to vector<16xf32>
      %select_n3A_691 = arith.select %eq3A_688, %get3A_670, %broadcast_in_dim3A_690 : vector<16xi1>, vector<16xf32>
      %add3A_692 = arith.addf %add3A_635, %select_n3A_691 : vector<16xf32>
      %dma_wait3A_693 = arith.constant 1 : i32
      %dma_wait3A_694 = arith.constant 1 : i32
      %dma_wait3A_695 = arith.constant 1 : i32
      %dma_wait3A_696 = arith.constant 0 : i32
      %dma_wait3A_697 = arith.constant 0 : i32
      %dma_wait3A_698 = tpu.memref_slice %arg14[%dma_wait3A_693, %dma_wait3A_696, %dma_wait3A_697] : memref<4x4x4096xf32, #tpu.memory_space<vmem>> -> memref<1x4x4096xf32, #tpu.memory_space<vmem>>
      %dma_wait3A_699 = tpu.memref_squeeze %dma_wait3A_698 : memref<1x4x4096xf32, #tpu.memory_space<vmem>> -> memref<4x4096xf32, #tpu.memory_space<vmem>>
      %dma_wait3A_700 = arith.constant 0 : i32
      %dma_wait3A_701 = arith.constant 0 : i32
      %dma_wait3A_702 = tpu.memref_slice %arg17[%arg1, %dma_wait3A_694, %dma_wait3A_700, %dma_wait3A_701] : memref<16x2x4x4096xf32, #tpu.memory_space<vmem_shared>> -> memref<1x1x4x4096xf32, #tpu.memory_space<vmem_shared>>
      %dma_wait3A_703 = tpu.memref_squeeze %dma_wait3A_702 : memref<1x1x4x4096xf32, #tpu.memory_space<vmem_shared>> -> memref<4x4096xf32, #tpu.memory_space<vmem_shared>>
      %dma_wait3A_704 = tpu.memref_slice %arg19[%dma_wait3A_695] : memref<4x!tpu.dma_semaphore, #tpu.memory_space<semaphore_mem>> -> memref<1x!tpu.dma_semaphore, #tpu.memory_space<semaphore_mem>>
      %dma_wait3A_705 = tpu.memref_squeeze %dma_wait3A_704 : memref<1x!tpu.dma_semaphore, #tpu.memory_space<semaphore_mem>> -> memref<!tpu.dma_semaphore, #tpu.memory_space<semaphore_mem>>
      %dma_wait3A_706 = arith.constant 0 : i32
      %dma_wait3A_707 = arith.constant 0 : i32
      %dma_wait3A_708 = tpu.memref_slice %arg17[%arg1, %dma_wait3A_694, %dma_wait3A_706, %dma_wait3A_707] : memref<16x2x4x4096xf32, #tpu.memory_space<vmem_shared>> -> memref<1x1x4x4096xf32, #tpu.memory_space<vmem_shared>>
      %dma_wait3A_709 = tpu.memref_squeeze %dma_wait3A_708 : memref<1x1x4x4096xf32, #tpu.memory_space<vmem_shared>> -> memref<4x4096xf32, #tpu.memory_space<vmem_shared>>
      %dma_wait3A_710 = arith.constant 0 : i32
      %dma_wait3A_711 = arith.constant 0 : i32
      %dma_wait3A_712 = tpu.memref_slice %arg14[%dma_wait3A_693, %dma_wait3A_710, %dma_wait3A_711] : memref<4x4x4096xf32, #tpu.memory_space<vmem>> -> memref<1x4x4096xf32, #tpu.memory_space<vmem>>
      %dma_wait3A_713 = tpu.memref_squeeze %dma_wait3A_712 : memref<1x4x4096xf32, #tpu.memory_space<vmem>> -> memref<4x4096xf32, #tpu.memory_space<vmem>>
      tpu.wait_dma2 semaphore(%dma_wait3A_705 : memref<!tpu.dma_semaphore, #tpu.memory_space<semaphore_mem>>) src(%dma_wait3A_713 : memref<4x4096xf32, #tpu.memory_space<vmem>>) dst(%dma_wait3A_709 : memref<4x4096xf32, #tpu.memory_space<vmem_shared>>)
      %mul3A_714 = arith.constant 4 : i32
      %mul3A_715 = arith.muli %add3A_408, %mul3A_714 : i32
      %add3A_716 = arith.addi %mul3A_2, %mul3A_715 : i32
      %dma_start3A_717 = arith.constant 1 : i32
      %dma_start3A_718 = arith.constant 1 : i32
      %dma_start3A_719 = tpu.memref_slice %arg20[%dma_start3A_718] : memref<2x!tpu.dma_semaphore, #tpu.memory_space<semaphore_mem>> -> memref<1x!tpu.dma_semaphore, #tpu.memory_space<semaphore_mem>>
      %dma_start3A_720 = tpu.memref_squeeze %dma_start3A_719 : memref<1x!tpu.dma_semaphore, #tpu.memory_space<semaphore_mem>> -> memref<!tpu.dma_semaphore, #tpu.memory_space<semaphore_mem>>
      %dma_start3A_721 = arith.constant 0 : i32
      %dma_start3A_722 = tpu.memref_slice %arg6[%add3A_716, %dma_start3A_721] : memref<16384x4096xf32, #tpu.memory_space<hbm>> -> memref<4x4096xf32, #tpu.memory_space<hbm>>
      %dma_start3A_723 = arith.constant 0 : i32
      %dma_start3A_724 = arith.constant 0 : i32
      %dma_start3A_725 = tpu.memref_slice %arg17[%arg1, %dma_start3A_717, %dma_start3A_723, %dma_start3A_724] : memref<16x2x4x4096xf32, #tpu.memory_space<vmem_shared>> -> memref<1x1x4x4096xf32, #tpu.memory_space<vmem_shared>>
      %dma_start3A_726 = tpu.memref_squeeze %dma_start3A_725 : memref<1x1x4x4096xf32, #tpu.memory_space<vmem_shared>> -> memref<4x4096xf32, #tpu.memory_space<vmem_shared>>
      tpu.enqueue_dma source(%dma_start3A_726 : memref<4x4096xf32, #tpu.memory_space<vmem_shared>>) target(%dma_start3A_722 : memref<4x4096xf32, #tpu.memory_space<hbm>>) target_semaphore(%dma_start3A_720 : memref<!tpu.dma_semaphore, #tpu.memory_space<semaphore_mem>>)
      %mul3A_727 = arith.constant 4 : i32
      %mul3A_728 = arith.muli %scan3A_89, %mul3A_727 : i32
      %add3A_729 = arith.constant 2 : i32
      %add3A_730 = arith.addi %mul3A_728, %add3A_729 : i32
      %dma_wait3A_731 = arith.constant 2 : i32
      %dma_wait3A_732 = arith.constant 2 : i32
      %dma_wait3A_733 = arith.constant 0 : i32
      %dma_wait3A_734 = arith.constant 0 : i32
      %dma_wait3A_735 = tpu.memref_slice %arg14[%dma_wait3A_731, %dma_wait3A_733, %dma_wait3A_734] : memref<4x4x4096xf32, #tpu.memory_space<vmem>> -> memref<1x4x4096xf32, #tpu.memory_space<vmem>>
      %dma_wait3A_736 = tpu.memref_squeeze %dma_wait3A_735 : memref<1x4x4096xf32, #tpu.memory_space<vmem>> -> memref<4x4096xf32, #tpu.memory_space<vmem>>
      %dma_wait3A_737 = arith.constant 0 : i32
      %dma_wait3A_738 = tpu.memref_slice %arg10[%add3A_730, %dma_wait3A_737] : memref<128x4xi32, #tpu.memory_space<vmem>> -> memref<1x4xi32, #tpu.memory_space<vmem>>
      %dma_wait3A_739 = tpu.memref_squeeze %dma_wait3A_738 : memref<1x4xi32, #tpu.memory_space<vmem>> -> memref<4xi32, #tpu.memory_space<vmem>>
      %dma_wait3A_740 = arith.constant 0 : i32
      %dma_wait3A_741 = arith.constant 0 : i32
      %dma_wait3A_742 = tpu.memref_slice %arg2[%dma_wait3A_740, %dma_wait3A_741] : memref<4096x4096xf32, #tpu.memory_space<hbm>> -> memref<4096x4096xf32, #tpu.memory_space<hbm>>
      %dma_wait3A_743 = tpu.memref_slice %arg18[%dma_wait3A_732] : memref<4x!tpu.dma_semaphore, #tpu.memory_space<semaphore_mem>> -> memref<1x!tpu.dma_semaphore, #tpu.memory_space<semaphore_mem>>
      %dma_wait3A_744 = tpu.memref_squeeze %dma_wait3A_743 : memref<1x!tpu.dma_semaphore, #tpu.memory_space<semaphore_mem>> -> memref<!tpu.dma_semaphore, #tpu.memory_space<semaphore_mem>>
      tpu.wait_indirect_dma semaphore(%dma_wait3A_744 : memref<!tpu.dma_semaphore, #tpu.memory_space<semaphore_mem>>) src(%dma_wait3A_742 : memref<4096x4096xf32, #tpu.memory_space<hbm>>) dst(%dma_wait3A_736 : memref<4x4096xf32, #tpu.memory_space<vmem>>)
      %sub3A_745 = arith.constant 2 : i32
      %sub3A_746 = arith.subi %add3A_730, %sub3A_745 : i32
      %mul3A_747 = arith.constant 4 : i32
      %mul3A_748 = arith.muli %sub3A_746, %mul3A_747 : i32
      %add3A_749 = arith.addi %mul3A_2, %mul3A_748 : i32
      %dma_wait3A_750 = arith.constant 0 : i32
      %dma_wait3A_751 = arith.constant 0 : i32
      %dma_wait3A_752 = tpu.memref_slice %arg20[%dma_wait3A_751] : memref<2x!tpu.dma_semaphore, #tpu.memory_space<semaphore_mem>> -> memref<1x!tpu.dma_semaphore, #tpu.memory_space<semaphore_mem>>
      %dma_wait3A_753 = tpu.memref_squeeze %dma_wait3A_752 : memref<1x!tpu.dma_semaphore, #tpu.memory_space<semaphore_mem>> -> memref<!tpu.dma_semaphore, #tpu.memory_space<semaphore_mem>>
      %dma_wait3A_754 = arith.constant 0 : i32
      %dma_wait3A_755 = tpu.memref_slice %arg6[%add3A_749, %dma_wait3A_754] : memref<16384x4096xf32, #tpu.memory_space<hbm>> -> memref<4x4096xf32, #tpu.memory_space<hbm>>
      %dma_wait3A_756 = arith.constant 0 : i32
      %dma_wait3A_757 = arith.constant 0 : i32
      %dma_wait3A_758 = tpu.memref_slice %arg17[%arg1, %dma_wait3A_750, %dma_wait3A_756, %dma_wait3A_757] : memref<16x2x4x4096xf32, #tpu.memory_space<vmem_shared>> -> memref<1x1x4x4096xf32, #tpu.memory_space<vmem_shared>>
      %dma_wait3A_759 = tpu.memref_squeeze %dma_wait3A_758 : memref<1x1x4x4096xf32, #tpu.memory_space<vmem_shared>> -> memref<4x4096xf32, #tpu.memory_space<vmem_shared>>
      tpu.wait_dma2 semaphore(%dma_wait3A_753 : memref<!tpu.dma_semaphore, #tpu.memory_space<semaphore_mem>>) src(%dma_wait3A_759 : memref<4x4096xf32, #tpu.memory_space<vmem_shared>>) dst(%dma_wait3A_755 : memref<4x4096xf32, #tpu.memory_space<hbm>>)
      %dma_start3A_760 = arith.constant 2 : i32
      %dma_start3A_761 = arith.constant 0 : i32
      %dma_start3A_762 = arith.constant 2 : i32
      %dma_start3A_763 = arith.constant 0 : i32
      %dma_start3A_764 = arith.constant 0 : i32
      %dma_start3A_765 = tpu.memref_slice %arg14[%dma_start3A_760, %dma_start3A_763, %dma_start3A_764] : memref<4x4x4096xf32, #tpu.memory_space<vmem>> -> memref<1x4x4096xf32, #tpu.memory_space<vmem>>
      %dma_start3A_766 = tpu.memref_squeeze %dma_start3A_765 : memref<1x4x4096xf32, #tpu.memory_space<vmem>> -> memref<4x4096xf32, #tpu.memory_space<vmem>>
      %dma_start3A_767 = arith.constant 0 : i32
      %dma_start3A_768 = arith.constant 0 : i32
      %dma_start3A_769 = tpu.memref_slice %arg17[%arg1, %dma_start3A_761, %dma_start3A_767, %dma_start3A_768] : memref<16x2x4x4096xf32, #tpu.memory_space<vmem_shared>> -> memref<1x1x4x4096xf32, #tpu.memory_space<vmem_shared>>
      %dma_start3A_770 = tpu.memref_squeeze %dma_start3A_769 : memref<1x1x4x4096xf32, #tpu.memory_space<vmem_shared>> -> memref<4x4096xf32, #tpu.memory_space<vmem_shared>>
      %dma_start3A_771 = tpu.memref_slice %arg19[%dma_start3A_762] : memref<4x!tpu.dma_semaphore, #tpu.memory_space<semaphore_mem>> -> memref<1x!tpu.dma_semaphore, #tpu.memory_space<semaphore_mem>>
      %dma_start3A_772 = tpu.memref_squeeze %dma_start3A_771 : memref<1x!tpu.dma_semaphore, #tpu.memory_space<semaphore_mem>> -> memref<!tpu.dma_semaphore, #tpu.memory_space<semaphore_mem>>
      %dma_start3A_773 = arith.constant 0 : i32
      %dma_start3A_774 = arith.constant 0 : i32
      %dma_start3A_775 = tpu.memref_slice %arg17[%arg1, %dma_start3A_761, %dma_start3A_773, %dma_start3A_774] : memref<16x2x4x4096xf32, #tpu.memory_space<vmem_shared>> -> memref<1x1x4x4096xf32, #tpu.memory_space<vmem_shared>>
      %dma_start3A_776 = tpu.memref_squeeze %dma_start3A_775 : memref<1x1x4x4096xf32, #tpu.memory_space<vmem_shared>> -> memref<4x4096xf32, #tpu.memory_space<vmem_shared>>
      %dma_start3A_777 = arith.constant 0 : i32
      %dma_start3A_778 = arith.constant 0 : i32
      %dma_start3A_779 = tpu.memref_slice %arg14[%dma_start3A_760, %dma_start3A_777, %dma_start3A_778] : memref<4x4x4096xf32, #tpu.memory_space<vmem>> -> memref<1x4x4096xf32, #tpu.memory_space<vmem>>
      %dma_start3A_780 = tpu.memref_squeeze %dma_start3A_779 : memref<1x4x4096xf32, #tpu.memory_space<vmem>> -> memref<4x4096xf32, #tpu.memory_space<vmem>>
      tpu.enqueue_dma source(%dma_start3A_780 : memref<4x4096xf32, #tpu.memory_space<vmem>>) target(%dma_start3A_776 : memref<4x4096xf32, #tpu.memory_space<vmem_shared>>) target_semaphore(%dma_start3A_772 : memref<!tpu.dma_semaphore, #tpu.memory_space<semaphore_mem>>)
      %lt3A_781 = arith.constant 31 : i32
      %lt3A_782 = arith.cmpi slt, %scan3A_89, %lt3A_781 : i32
      %convert_element_type3A_783 = arith.extui %lt3A_782 : i1 to i32
      %cond3A_784 = arith.constant 0 : i32
      %cond3A_785 = arith.cmpi ne, %convert_element_type3A_783, %cond3A_784 : i32
      scf.if %cond3A_785 {
        %add3A_1369 = arith.constant 2 : i32
        %add3A_1370 = arith.addi %add3A_730, %add3A_1369 : i32
        %dma_start3A_1371 = arith.constant 0 : i32
        %dma_start3A_1372 = arith.constant 0 : i32
        %dma_start3A_1373 = arith.constant 0 : i32
        %dma_start3A_1374 = arith.constant 0 : i32
        %dma_start3A_1375 = tpu.memref_slice %arg14[%dma_start3A_1371, %dma_start3A_1373, %dma_start3A_1374] : memref<4x4x4096xf32, #tpu.memory_space<vmem>> -> memref<1x4x4096xf32, #tpu.memory_space<vmem>>
        %dma_start3A_1376 = tpu.memref_squeeze %dma_start3A_1375 : memref<1x4x4096xf32, #tpu.memory_space<vmem>> -> memref<4x4096xf32, #tpu.memory_space<vmem>>
        %dma_start3A_1377 = arith.constant 0 : i32
        %dma_start3A_1378 = tpu.memref_slice %arg10[%add3A_1370, %dma_start3A_1377] : memref<128x4xi32, #tpu.memory_space<vmem>> -> memref<1x4xi32, #tpu.memory_space<vmem>>
        %dma_start3A_1379 = tpu.memref_squeeze %dma_start3A_1378 : memref<1x4xi32, #tpu.memory_space<vmem>> -> memref<4xi32, #tpu.memory_space<vmem>>
        %dma_start3A_1380 = arith.constant 0 : i32
        %dma_start3A_1381 = arith.constant 0 : i32
        %dma_start3A_1382 = tpu.memref_slice %arg2[%dma_start3A_1380, %dma_start3A_1381] : memref<4096x4096xf32, #tpu.memory_space<hbm>> -> memref<4096x4096xf32, #tpu.memory_space<hbm>>
        %dma_start3A_1383 = tpu.memref_slice %arg18[%dma_start3A_1372] : memref<4x!tpu.dma_semaphore, #tpu.memory_space<semaphore_mem>> -> memref<1x!tpu.dma_semaphore, #tpu.memory_space<semaphore_mem>>
        %dma_start3A_1384 = tpu.memref_squeeze %dma_start3A_1383 : memref<1x!tpu.dma_semaphore, #tpu.memory_space<semaphore_mem>> -> memref<!tpu.dma_semaphore, #tpu.memory_space<semaphore_mem>>
        tpu.enqueue_indirect_dma source(%dma_start3A_1382 : memref<4096x4096xf32, #tpu.memory_space<hbm>>) target(%dma_start3A_1376 : memref<4x4096xf32, #tpu.memory_space<vmem>>) offsets(%dma_start3A_1379 : memref<4xi32, #tpu.memory_space<vmem>>) semaphore(%dma_start3A_1384 : memref<!tpu.dma_semaphore, #tpu.memory_space<semaphore_mem>>)
      } else {
      }
      %slice3A_786 = vector.extract_strided_slice %get3A_94 {offsets = [8], sizes = [1], strides = [1]} : vector<16xi32> to vector<1xi32>
      %squeeze3A_787 = vector.extract %slice3A_786[0] : i32 from vector<1xi32>
      %jit3A_788 = arith.constant 16 : i32
      %div3A_789 = arith.divsi %squeeze3A_787, %jit3A_788 : i32
      %sign3A_790 = arith.constant 0 : i32
      %sign3A_791 = arith.cmpi sgt, %squeeze3A_787, %sign3A_790 : i32
      %sign3A_792 = arith.extui %sign3A_791 : i1 to i32
      %sign3A_793 = arith.constant 0 : i32
      %sign3A_794 = arith.cmpi slt, %squeeze3A_787, %sign3A_793 : i32
      %sign3A_795 = arith.extui %sign3A_794 : i1 to i32
      %sign3A_796 = arith.subi %sign3A_792, %sign3A_795 : i32
      %sign3A_797 = arith.constant 0 : i32
      %sign3A_798 = arith.cmpi sgt, %jit3A_788, %sign3A_797 : i32
      %sign3A_799 = arith.extui %sign3A_798 : i1 to i32
      %sign3A_800 = arith.constant 0 : i32
      %sign3A_801 = arith.cmpi slt, %jit3A_788, %sign3A_800 : i32
      %sign3A_802 = arith.extui %sign3A_801 : i1 to i32
      %sign3A_803 = arith.subi %sign3A_799, %sign3A_802 : i32
      %ne3A_804 = arith.cmpi ne, %sign3A_796, %sign3A_803 : i32
      %rem3A_805 = arith.remsi %squeeze3A_787, %jit3A_788 : i32
      %ne3A_806 = arith.constant 0 : i32
      %ne3A_807 = arith.cmpi ne, %rem3A_805, %ne3A_806 : i32
      %and3A_808 = arith.andi %ne3A_804, %ne3A_807 : i1
      %sub3A_809 = arith.constant 1 : i32
      %sub3A_810 = arith.subi %div3A_789, %sub3A_809 : i32
      %select_n3A_811 = arith.select %and3A_808, %sub3A_810, %div3A_789 : i32
      %mul3A_812 = arith.constant 16 : i32
      %mul3A_813 = arith.muli %select_n3A_811, %mul3A_812 : i32
      %get3A_814 = arith.constant 2 : i32
      %get3A_815 = arith.constant 0 : i32
      %get3A_816 = arith.index_cast %get3A_814 : i32 to index
      %get3A_817 = arith.index_cast %get3A_815 : i32 to index
      %get3A_818 = arith.index_cast %mul3A_813 : i32 to index
      %get3A_819 = tpu.vector_load %arg14[%get3A_816, %get3A_817, %get3A_818] {strides = array<i32>} : memref<4x4x4096xf32, #tpu.memory_space<vmem>>, vector<1x1x16xf32>,
      %get3A_820 = vector.shape_cast %get3A_819 : vector<1x1x16xf32> to vector<16xf32>
      %jit3A_821 = arith.constant 16 : i32
      %eq3A_822 = arith.constant 0 : i32
      %eq3A_823 = arith.cmpi eq, %jit3A_821, %eq3A_822 : i32
      %jit3A_824 = arith.constant 1 : i32
      %select_n3A_825 = arith.select %eq3A_823, %jit3A_824, %jit3A_821 : i32
      %rem3A_826 = arith.remsi %squeeze3A_787, %select_n3A_825 : i32
      %ne3A_827 = arith.constant 0 : i32
      %ne3A_828 = arith.cmpi ne, %rem3A_826, %ne3A_827 : i32
      %lt3A_829 = arith.constant 0 : i32
      %lt3A_830 = arith.cmpi slt, %rem3A_826, %lt3A_829 : i32
      %lt3A_831 = arith.constant 0 : i32
      %lt3A_832 = arith.cmpi slt, %select_n3A_825, %lt3A_831 : i32
      %ne3A_833 = arith.xori %lt3A_830, %lt3A_832 : i1
      %and3A_834 = arith.andi %ne3A_833, %ne3A_828 : i1
      %add3A_835 = arith.addi %rem3A_826, %select_n3A_825 : i32
      %select_n3A_836 = arith.select %and3A_834, %add3A_835, %rem3A_826 : i32
      %eq3A_837 = vector.broadcast %select_n3A_836 : i32 to vector<16xi32>
      %eq3A_838 = arith.cmpi eq, %iota3A, %eq3A_837 : vector<16xi32>
      %jit3A_839 = arith.constant 0.000000e+00 : f32
      %broadcast_in_dim3A_840 = vector.broadcast %jit3A_839 : f32 to vector<16xf32>
      %select_n3A_841 = arith.select %eq3A_838, %get3A_820, %broadcast_in_dim3A_840 : vector<16xi1>, vector<16xf32>
      %add3A_842 = arith.addf %add3A_692, %select_n3A_841 : vector<16xf32>
      %slice3A_843 = vector.extract_strided_slice %get3A_94 {offsets = [9], sizes = [1], strides = [1]} : vector<16xi32> to vector<1xi32>
      %squeeze3A_844 = vector.extract %slice3A_843[0] : i32 from vector<1xi32>
      %jit3A_845 = arith.constant 16 : i32
      %div3A_846 = arith.divsi %squeeze3A_844, %jit3A_845 : i32
      %sign3A_847 = arith.constant 0 : i32
      %sign3A_848 = arith.cmpi sgt, %squeeze3A_844, %sign3A_847 : i32
      %sign3A_849 = arith.extui %sign3A_848 : i1 to i32
      %sign3A_850 = arith.constant 0 : i32
      %sign3A_851 = arith.cmpi slt, %squeeze3A_844, %sign3A_850 : i32
      %sign3A_852 = arith.extui %sign3A_851 : i1 to i32
      %sign3A_853 = arith.subi %sign3A_849, %sign3A_852 : i32
      %sign3A_854 = arith.constant 0 : i32
      %sign3A_855 = arith.cmpi sgt, %jit3A_845, %sign3A_854 : i32
      %sign3A_856 = arith.extui %sign3A_855 : i1 to i32
      %sign3A_857 = arith.constant 0 : i32
      %sign3A_858 = arith.cmpi slt, %jit3A_845, %sign3A_857 : i32
      %sign3A_859 = arith.extui %sign3A_858 : i1 to i32
      %sign3A_860 = arith.subi %sign3A_856, %sign3A_859 : i32
      %ne3A_861 = arith.cmpi ne, %sign3A_853, %sign3A_860 : i32
      %rem3A_862 = arith.remsi %squeeze3A_844, %jit3A_845 : i32
      %ne3A_863 = arith.constant 0 : i32
      %ne3A_864 = arith.cmpi ne, %rem3A_862, %ne3A_863 : i32
      %and3A_865 = arith.andi %ne3A_861, %ne3A_864 : i1
      %sub3A_866 = arith.constant 1 : i32
      %sub3A_867 = arith.subi %div3A_846, %sub3A_866 : i32
      %select_n3A_868 = arith.select %and3A_865, %sub3A_867, %div3A_846 : i32
      %mul3A_869 = arith.constant 16 : i32
      %mul3A_870 = arith.muli %select_n3A_868, %mul3A_869 : i32
      %get3A_871 = arith.constant 2 : i32
      %get3A_872 = arith.constant 1 : i32
      %get3A_873 = arith.index_cast %get3A_871 : i32 to index
      %get3A_874 = arith.index_cast %get3A_872 : i32 to index
      %get3A_875 = arith.index_cast %mul3A_870 : i32 to index
      %get3A_876 = tpu.vector_load %arg14[%get3A_873, %get3A_874, %get3A_875] {strides = array<i32>} : memref<4x4x4096xf32, #tpu.memory_space<vmem>>, vector<1x1x16xf32>,
      %get3A_877 = vector.shape_cast %get3A_876 : vector<1x1x16xf32> to vector<16xf32>
      %jit3A_878 = arith.constant 16 : i32
      %eq3A_879 = arith.constant 0 : i32
      %eq3A_880 = arith.cmpi eq, %jit3A_878, %eq3A_879 : i32
      %jit3A_881 = arith.constant 1 : i32
      %select_n3A_882 = arith.select %eq3A_880, %jit3A_881, %jit3A_878 : i32
      %rem3A_883 = arith.remsi %squeeze3A_844, %select_n3A_882 : i32
      %ne3A_884 = arith.constant 0 : i32
      %ne3A_885 = arith.cmpi ne, %rem3A_883, %ne3A_884 : i32
      %lt3A_886 = arith.constant 0 : i32
      %lt3A_887 = arith.cmpi slt, %rem3A_883, %lt3A_886 : i32
      %lt3A_888 = arith.constant 0 : i32
      %lt3A_889 = arith.cmpi slt, %select_n3A_882, %lt3A_888 : i32
      %ne3A_890 = arith.xori %lt3A_887, %lt3A_889 : i1
      %and3A_891 = arith.andi %ne3A_890, %ne3A_885 : i1
      %add3A_892 = arith.addi %rem3A_883, %select_n3A_882 : i32
      %select_n3A_893 = arith.select %and3A_891, %add3A_892, %rem3A_883 : i32
      %eq3A_894 = vector.broadcast %select_n3A_893 : i32 to vector<16xi32>
      %eq3A_895 = arith.cmpi eq, %iota3A, %eq3A_894 : vector<16xi32>
      %jit3A_896 = arith.constant 0.000000e+00 : f32
      %broadcast_in_dim3A_897 = vector.broadcast %jit3A_896 : f32 to vector<16xf32>
      %select_n3A_898 = arith.select %eq3A_895, %get3A_877, %broadcast_in_dim3A_897 : vector<16xi1>, vector<16xf32>
      %add3A_899 = arith.addf %add3A_842, %select_n3A_898 : vector<16xf32>
      %slice3A_900 = vector.extract_strided_slice %get3A_94 {offsets = [10], sizes = [1], strides = [1]} : vector<16xi32> to vector<1xi32>
      %squeeze3A_901 = vector.extract %slice3A_900[0] : i32 from vector<1xi32>
      %jit3A_902 = arith.constant 16 : i32
      %div3A_903 = arith.divsi %squeeze3A_901, %jit3A_902 : i32
      %sign3A_904 = arith.constant 0 : i32
      %sign3A_905 = arith.cmpi sgt, %squeeze3A_901, %sign3A_904 : i32
      %sign3A_906 = arith.extui %sign3A_905 : i1 to i32
      %sign3A_907 = arith.constant 0 : i32
      %sign3A_908 = arith.cmpi slt, %squeeze3A_901, %sign3A_907 : i32
      %sign3A_909 = arith.extui %sign3A_908 : i1 to i32
      %sign3A_910 = arith.subi %sign3A_906, %sign3A_909 : i32
      %sign3A_911 = arith.constant 0 : i32
      %sign3A_912 = arith.cmpi sgt, %jit3A_902, %sign3A_911 : i32
      %sign3A_913 = arith.extui %sign3A_912 : i1 to i32
      %sign3A_914 = arith.constant 0 : i32
      %sign3A_915 = arith.cmpi slt, %jit3A_902, %sign3A_914 : i32
      %sign3A_916 = arith.extui %sign3A_915 : i1 to i32
      %sign3A_917 = arith.subi %sign3A_913, %sign3A_916 : i32
      %ne3A_918 = arith.cmpi ne, %sign3A_910, %sign3A_917 : i32
      %rem3A_919 = arith.remsi %squeeze3A_901, %jit3A_902 : i32
      %ne3A_920 = arith.constant 0 : i32
      %ne3A_921 = arith.cmpi ne, %rem3A_919, %ne3A_920 : i32
      %and3A_922 = arith.andi %ne3A_918, %ne3A_921 : i1
      %sub3A_923 = arith.constant 1 : i32
      %sub3A_924 = arith.subi %div3A_903, %sub3A_923 : i32
      %select_n3A_925 = arith.select %and3A_922, %sub3A_924, %div3A_903 : i32
      %mul3A_926 = arith.constant 16 : i32
      %mul3A_927 = arith.muli %select_n3A_925, %mul3A_926 : i32
      %get3A_928 = arith.constant 2 : i32
      %get3A_929 = arith.constant 2 : i32
      %get3A_930 = arith.index_cast %get3A_928 : i32 to index
      %get3A_931 = arith.index_cast %get3A_929 : i32 to index
      %get3A_932 = arith.index_cast %mul3A_927 : i32 to index
      %get3A_933 = tpu.vector_load %arg14[%get3A_930, %get3A_931, %get3A_932] {strides = array<i32>} : memref<4x4x4096xf32, #tpu.memory_space<vmem>>, vector<1x1x16xf32>,
      %get3A_934 = vector.shape_cast %get3A_933 : vector<1x1x16xf32> to vector<16xf32>
      %jit3A_935 = arith.constant 16 : i32
      %eq3A_936 = arith.constant 0 : i32
      %eq3A_937 = arith.cmpi eq, %jit3A_935, %eq3A_936 : i32
      %jit3A_938 = arith.constant 1 : i32
      %select_n3A_939 = arith.select %eq3A_937, %jit3A_938, %jit3A_935 : i32
      %rem3A_940 = arith.remsi %squeeze3A_901, %select_n3A_939 : i32
      %ne3A_941 = arith.constant 0 : i32
      %ne3A_942 = arith.cmpi ne, %rem3A_940, %ne3A_941 : i32
      %lt3A_943 = arith.constant 0 : i32
      %lt3A_944 = arith.cmpi slt, %rem3A_940, %lt3A_943 : i32
      %lt3A_945 = arith.constant 0 : i32
      %lt3A_946 = arith.cmpi slt, %select_n3A_939, %lt3A_945 : i32
      %ne3A_947 = arith.xori %lt3A_944, %lt3A_946 : i1
      %and3A_948 = arith.andi %ne3A_947, %ne3A_942 : i1
      %add3A_949 = arith.addi %rem3A_940, %select_n3A_939 : i32
      %select_n3A_950 = arith.select %and3A_948, %add3A_949, %rem3A_940 : i32
      %eq3A_951 = vector.broadcast %select_n3A_950 : i32 to vector<16xi32>
      %eq3A_952 = arith.cmpi eq, %iota3A, %eq3A_951 : vector<16xi32>
      %jit3A_953 = arith.constant 0.000000e+00 : f32
      %broadcast_in_dim3A_954 = vector.broadcast %jit3A_953 : f32 to vector<16xf32>
      %select_n3A_955 = arith.select %eq3A_952, %get3A_934, %broadcast_in_dim3A_954 : vector<16xi1>, vector<16xf32>
      %add3A_956 = arith.addf %add3A_899, %select_n3A_955 : vector<16xf32>
      %slice3A_957 = vector.extract_strided_slice %get3A_94 {offsets = [11], sizes = [1], strides = [1]} : vector<16xi32> to vector<1xi32>
      %squeeze3A_958 = vector.extract %slice3A_957[0] : i32 from vector<1xi32>
      %jit3A_959 = arith.constant 16 : i32
      %div3A_960 = arith.divsi %squeeze3A_958, %jit3A_959 : i32
      %sign3A_961 = arith.constant 0 : i32
      %sign3A_962 = arith.cmpi sgt, %squeeze3A_958, %sign3A_961 : i32
      %sign3A_963 = arith.extui %sign3A_962 : i1 to i32
      %sign3A_964 = arith.constant 0 : i32
      %sign3A_965 = arith.cmpi slt, %squeeze3A_958, %sign3A_964 : i32
      %sign3A_966 = arith.extui %sign3A_965 : i1 to i32
      %sign3A_967 = arith.subi %sign3A_963, %sign3A_966 : i32
      %sign3A_968 = arith.constant 0 : i32
      %sign3A_969 = arith.cmpi sgt, %jit3A_959, %sign3A_968 : i32
      %sign3A_970 = arith.extui %sign3A_969 : i1 to i32
      %sign3A_971 = arith.constant 0 : i32
      %sign3A_972 = arith.cmpi slt, %jit3A_959, %sign3A_971 : i32
      %sign3A_973 = arith.extui %sign3A_972 : i1 to i32
      %sign3A_974 = arith.subi %sign3A_970, %sign3A_973 : i32
      %ne3A_975 = arith.cmpi ne, %sign3A_967, %sign3A_974 : i32
      %rem3A_976 = arith.remsi %squeeze3A_958, %jit3A_959 : i32
      %ne3A_977 = arith.constant 0 : i32
      %ne3A_978 = arith.cmpi ne, %rem3A_976, %ne3A_977 : i32
      %and3A_979 = arith.andi %ne3A_975, %ne3A_978 : i1
      %sub3A_980 = arith.constant 1 : i32
      %sub3A_981 = arith.subi %div3A_960, %sub3A_980 : i32
      %select_n3A_982 = arith.select %and3A_979, %sub3A_981, %div3A_960 : i32
      %mul3A_983 = arith.constant 16 : i32
      %mul3A_984 = arith.muli %select_n3A_982, %mul3A_983 : i32
      %get3A_985 = arith.constant 2 : i32
      %get3A_986 = arith.constant 3 : i32
      %get3A_987 = arith.index_cast %get3A_985 : i32 to index
      %get3A_988 = arith.index_cast %get3A_986 : i32 to index
      %get3A_989 = arith.index_cast %mul3A_984 : i32 to index
      %get3A_990 = tpu.vector_load %arg14[%get3A_987, %get3A_988, %get3A_989] {strides = array<i32>} : memref<4x4x4096xf32, #tpu.memory_space<vmem>>, vector<1x1x16xf32>,
      %get3A_991 = vector.shape_cast %get3A_990 : vector<1x1x16xf32> to vector<16xf32>
      %jit3A_992 = arith.constant 16 : i32
      %eq3A_993 = arith.constant 0 : i32
      %eq3A_994 = arith.cmpi eq, %jit3A_992, %eq3A_993 : i32
      %jit3A_995 = arith.constant 1 : i32
      %select_n3A_996 = arith.select %eq3A_994, %jit3A_995, %jit3A_992 : i32
      %rem3A_997 = arith.remsi %squeeze3A_958, %select_n3A_996 : i32
      %ne3A_998 = arith.constant 0 : i32
      %ne3A_999 = arith.cmpi ne, %rem3A_997, %ne3A_998 : i32
      %lt3A_1000 = arith.constant 0 : i32
      %lt3A_1001 = arith.cmpi slt, %rem3A_997, %lt3A_1000 : i32
      %lt3A_1002 = arith.constant 0 : i32
      %lt3A_1003 = arith.cmpi slt, %select_n3A_996, %lt3A_1002 : i32
      %ne3A_1004 = arith.xori %lt3A_1001, %lt3A_1003 : i1
      %and3A_1005 = arith.andi %ne3A_1004, %ne3A_999 : i1
      %add3A_1006 = arith.addi %rem3A_997, %select_n3A_996 : i32
      %select_n3A_1007 = arith.select %and3A_1005, %add3A_1006, %rem3A_997 : i32
      %eq3A_1008 = vector.broadcast %select_n3A_1007 : i32 to vector<16xi32>
      %eq3A_1009 = arith.cmpi eq, %iota3A, %eq3A_1008 : vector<16xi32>
      %jit3A_1010 = arith.constant 0.000000e+00 : f32
      %broadcast_in_dim3A_1011 = vector.broadcast %jit3A_1010 : f32 to vector<16xf32>
      %select_n3A_1012 = arith.select %eq3A_1009, %get3A_991, %broadcast_in_dim3A_1011 : vector<16xi1>, vector<16xf32>
      %add3A_1013 = arith.addf %add3A_956, %select_n3A_1012 : vector<16xf32>
      %dma_wait3A_1014 = arith.constant 2 : i32
      %dma_wait3A_1015 = arith.constant 0 : i32
      %dma_wait3A_1016 = arith.constant 2 : i32
      %dma_wait3A_1017 = arith.constant 0 : i32
      %dma_wait3A_1018 = arith.constant 0 : i32
      %dma_wait3A_1019 = tpu.memref_slice %arg14[%dma_wait3A_1014, %dma_wait3A_1017, %dma_wait3A_1018] : memref<4x4x4096xf32, #tpu.memory_space<vmem>> -> memref<1x4x4096xf32, #tpu.memory_space<vmem>>
      %dma_wait3A_1020 = tpu.memref_squeeze %dma_wait3A_1019 : memref<1x4x4096xf32, #tpu.memory_space<vmem>> -> memref<4x4096xf32, #tpu.memory_space<vmem>>
      %dma_wait3A_1021 = arith.constant 0 : i32
      %dma_wait3A_1022 = arith.constant 0 : i32
      %dma_wait3A_1023 = tpu.memref_slice %arg17[%arg1, %dma_wait3A_1015, %dma_wait3A_1021, %dma_wait3A_1022] : memref<16x2x4x4096xf32, #tpu.memory_space<vmem_shared>> -> memref<1x1x4x4096xf32, #tpu.memory_space<vmem_shared>>
      %dma_wait3A_1024 = tpu.memref_squeeze %dma_wait3A_1023 : memref<1x1x4x4096xf32, #tpu.memory_space<vmem_shared>> -> memref<4x4096xf32, #tpu.memory_space<vmem_shared>>
      %dma_wait3A_1025 = tpu.memref_slice %arg19[%dma_wait3A_1016] : memref<4x!tpu.dma_semaphore, #tpu.memory_space<semaphore_mem>> -> memref<1x!tpu.dma_semaphore, #tpu.memory_space<semaphore_mem>>
      %dma_wait3A_1026 = tpu.memref_squeeze %dma_wait3A_1025 : memref<1x!tpu.dma_semaphore, #tpu.memory_space<semaphore_mem>> -> memref<!tpu.dma_semaphore, #tpu.memory_space<semaphore_mem>>
      %dma_wait3A_1027 = arith.constant 0 : i32
      %dma_wait3A_1028 = arith.constant 0 : i32
      %dma_wait3A_1029 = tpu.memref_slice %arg17[%arg1, %dma_wait3A_1015, %dma_wait3A_1027, %dma_wait3A_1028] : memref<16x2x4x4096xf32, #tpu.memory_space<vmem_shared>> -> memref<1x1x4x4096xf32, #tpu.memory_space<vmem_shared>>
      %dma_wait3A_1030 = tpu.memref_squeeze %dma_wait3A_1029 : memref<1x1x4x4096xf32, #tpu.memory_space<vmem_shared>> -> memref<4x4096xf32, #tpu.memory_space<vmem_shared>>
      %dma_wait3A_1031 = arith.constant 0 : i32
      %dma_wait3A_1032 = arith.constant 0 : i32
      %dma_wait3A_1033 = tpu.memref_slice %arg14[%dma_wait3A_1014, %dma_wait3A_1031, %dma_wait3A_1032] : memref<4x4x4096xf32, #tpu.memory_space<vmem>> -> memref<1x4x4096xf32, #tpu.memory_space<vmem>>
      %dma_wait3A_1034 = tpu.memref_squeeze %dma_wait3A_1033 : memref<1x4x4096xf32, #tpu.memory_space<vmem>> -> memref<4x4096xf32, #tpu.memory_space<vmem>>
      tpu.wait_dma2 semaphore(%dma_wait3A_1026 : memref<!tpu.dma_semaphore, #tpu.memory_space<semaphore_mem>>) src(%dma_wait3A_1034 : memref<4x4096xf32, #tpu.memory_space<vmem>>) dst(%dma_wait3A_1030 : memref<4x4096xf32, #tpu.memory_space<vmem_shared>>)
      %mul3A_1035 = arith.constant 4 : i32
      %mul3A_1036 = arith.muli %add3A_730, %mul3A_1035 : i32
      %add3A_1037 = arith.addi %mul3A_2, %mul3A_1036 : i32
      %dma_start3A_1038 = arith.constant 0 : i32
      %dma_start3A_1039 = arith.constant 0 : i32
      %dma_start3A_1040 = tpu.memref_slice %arg20[%dma_start3A_1039] : memref<2x!tpu.dma_semaphore, #tpu.memory_space<semaphore_mem>> -> memref<1x!tpu.dma_semaphore, #tpu.memory_space<semaphore_mem>>
      %dma_start3A_1041 = tpu.memref_squeeze %dma_start3A_1040 : memref<1x!tpu.dma_semaphore, #tpu.memory_space<semaphore_mem>> -> memref<!tpu.dma_semaphore, #tpu.memory_space<semaphore_mem>>
      %dma_start3A_1042 = arith.constant 0 : i32
      %dma_start3A_1043 = tpu.memref_slice %arg6[%add3A_1037, %dma_start3A_1042] : memref<16384x4096xf32, #tpu.memory_space<hbm>> -> memref<4x4096xf32, #tpu.memory_space<hbm>>
      %dma_start3A_1044 = arith.constant 0 : i32
      %dma_start3A_1045 = arith.constant 0 : i32
      %dma_start3A_1046 = tpu.memref_slice %arg17[%arg1, %dma_start3A_1038, %dma_start3A_1044, %dma_start3A_1045] : memref<16x2x4x4096xf32, #tpu.memory_space<vmem_shared>> -> memref<1x1x4x4096xf32, #tpu.memory_space<vmem_shared>>
      %dma_start3A_1047 = tpu.memref_squeeze %dma_start3A_1046 : memref<1x1x4x4096xf32, #tpu.memory_space<vmem_shared>> -> memref<4x4096xf32, #tpu.memory_space<vmem_shared>>
      tpu.enqueue_dma source(%dma_start3A_1047 : memref<4x4096xf32, #tpu.memory_space<vmem_shared>>) target(%dma_start3A_1043 : memref<4x4096xf32, #tpu.memory_space<hbm>>) target_semaphore(%dma_start3A_1041 : memref<!tpu.dma_semaphore, #tpu.memory_space<semaphore_mem>>)
      %mul3A_1048 = arith.constant 4 : i32
      %mul3A_1049 = arith.muli %scan3A_89, %mul3A_1048 : i32
      %add3A_1050 = arith.constant 3 : i32
      %add3A_1051 = arith.addi %mul3A_1049, %add3A_1050 : i32
      %dma_wait3A_1052 = arith.constant 3 : i32
      %dma_wait3A_1053 = arith.constant 3 : i32
      %dma_wait3A_1054 = arith.constant 0 : i32
      %dma_wait3A_1055 = arith.constant 0 : i32
      %dma_wait3A_1056 = tpu.memref_slice %arg14[%dma_wait3A_1052, %dma_wait3A_1054, %dma_wait3A_1055] : memref<4x4x4096xf32, #tpu.memory_space<vmem>> -> memref<1x4x4096xf32, #tpu.memory_space<vmem>>
      %dma_wait3A_1057 = tpu.memref_squeeze %dma_wait3A_1056 : memref<1x4x4096xf32, #tpu.memory_space<vmem>> -> memref<4x4096xf32, #tpu.memory_space<vmem>>
      %dma_wait3A_1058 = arith.constant 0 : i32
      %dma_wait3A_1059 = tpu.memref_slice %arg10[%add3A_1051, %dma_wait3A_1058] : memref<128x4xi32, #tpu.memory_space<vmem>> -> memref<1x4xi32, #tpu.memory_space<vmem>>
      %dma_wait3A_1060 = tpu.memref_squeeze %dma_wait3A_1059 : memref<1x4xi32, #tpu.memory_space<vmem>> -> memref<4xi32, #tpu.memory_space<vmem>>
      %dma_wait3A_1061 = arith.constant 0 : i32
      %dma_wait3A_1062 = arith.constant 0 : i32
      %dma_wait3A_1063 = tpu.memref_slice %arg2[%dma_wait3A_1061, %dma_wait3A_1062] : memref<4096x4096xf32, #tpu.memory_space<hbm>> -> memref<4096x4096xf32, #tpu.memory_space<hbm>>
      %dma_wait3A_1064 = tpu.memref_slice %arg18[%dma_wait3A_1053] : memref<4x!tpu.dma_semaphore, #tpu.memory_space<semaphore_mem>> -> memref<1x!tpu.dma_semaphore, #tpu.memory_space<semaphore_mem>>
      %dma_wait3A_1065 = tpu.memref_squeeze %dma_wait3A_1064 : memref<1x!tpu.dma_semaphore, #tpu.memory_space<semaphore_mem>> -> memref<!tpu.dma_semaphore, #tpu.memory_space<semaphore_mem>>
      tpu.wait_indirect_dma semaphore(%dma_wait3A_1065 : memref<!tpu.dma_semaphore, #tpu.memory_space<semaphore_mem>>) src(%dma_wait3A_1063 : memref<4096x4096xf32, #tpu.memory_space<hbm>>) dst(%dma_wait3A_1057 : memref<4x4096xf32, #tpu.memory_space<vmem>>)
      %sub3A_1066 = arith.constant 2 : i32
      %sub3A_1067 = arith.subi %add3A_1051, %sub3A_1066 : i32
      %mul3A_1068 = arith.constant 4 : i32
      %mul3A_1069 = arith.muli %sub3A_1067, %mul3A_1068 : i32
      %add3A_1070 = arith.addi %mul3A_2, %mul3A_1069 : i32
      %dma_wait3A_1071 = arith.constant 1 : i32
      %dma_wait3A_1072 = arith.constant 1 : i32
      %dma_wait3A_1073 = tpu.memref_slice %arg20[%dma_wait3A_1072] : memref<2x!tpu.dma_semaphore, #tpu.memory_space<semaphore_mem>> -> memref<1x!tpu.dma_semaphore, #tpu.memory_space<semaphore_mem>>
      %dma_wait3A_1074 = tpu.memref_squeeze %dma_wait3A_1073 : memref<1x!tpu.dma_semaphore, #tpu.memory_space<semaphore_mem>> -> memref<!tpu.dma_semaphore, #tpu.memory_space<semaphore_mem>>
      %dma_wait3A_1075 = arith.constant 0 : i32
      %dma_wait3A_1076 = tpu.memref_slice %arg6[%add3A_1070, %dma_wait3A_1075] : memref<16384x4096xf32, #tpu.memory_space<hbm>> -> memref<4x4096xf32, #tpu.memory_space<hbm>>
      %dma_wait3A_1077 = arith.constant 0 : i32
      %dma_wait3A_1078 = arith.constant 0 : i32
      %dma_wait3A_1079 = tpu.memref_slice %arg17[%arg1, %dma_wait3A_1071, %dma_wait3A_1077, %dma_wait3A_1078] : memref<16x2x4x4096xf32, #tpu.memory_space<vmem_shared>> -> memref<1x1x4x4096xf32, #tpu.memory_space<vmem_shared>>
      %dma_wait3A_1080 = tpu.memref_squeeze %dma_wait3A_1079 : memref<1x1x4x4096xf32, #tpu.memory_space<vmem_shared>> -> memref<4x4096xf32, #tpu.memory_space<vmem_shared>>
      tpu.wait_dma2 semaphore(%dma_wait3A_1074 : memref<!tpu.dma_semaphore, #tpu.memory_space<semaphore_mem>>) src(%dma_wait3A_1080 : memref<4x4096xf32, #tpu.memory_space<vmem_shared>>) dst(%dma_wait3A_1076 : memref<4x4096xf32, #tpu.memory_space<hbm>>)
      %dma_start3A_1081 = arith.constant 3 : i32
      %dma_start3A_1082 = arith.constant 1 : i32
      %dma_start3A_1083 = arith.constant 3 : i32
      %dma_start3A_1084 = arith.constant 0 : i32
      %dma_start3A_1085 = arith.constant 0 : i32
      %dma_start3A_1086 = tpu.memref_slice %arg14[%dma_start3A_1081, %dma_start3A_1084, %dma_start3A_1085] : memref<4x4x4096xf32, #tpu.memory_space<vmem>> -> memref<1x4x4096xf32, #tpu.memory_space<vmem>>
      %dma_start3A_1087 = tpu.memref_squeeze %dma_start3A_1086 : memref<1x4x4096xf32, #tpu.memory_space<vmem>> -> memref<4x4096xf32, #tpu.memory_space<vmem>>
      %dma_start3A_1088 = arith.constant 0 : i32
      %dma_start3A_1089 = arith.constant 0 : i32
      %dma_start3A_1090 = tpu.memref_slice %arg17[%arg1, %dma_start3A_1082, %dma_start3A_1088, %dma_start3A_1089] : memref<16x2x4x4096xf32, #tpu.memory_space<vmem_shared>> -> memref<1x1x4x4096xf32, #tpu.memory_space<vmem_shared>>
      %dma_start3A_1091 = tpu.memref_squeeze %dma_start3A_1090 : memref<1x1x4x4096xf32, #tpu.memory_space<vmem_shared>> -> memref<4x4096xf32, #tpu.memory_space<vmem_shared>>
      %dma_start3A_1092 = tpu.memref_slice %arg19[%dma_start3A_1083] : memref<4x!tpu.dma_semaphore, #tpu.memory_space<semaphore_mem>> -> memref<1x!tpu.dma_semaphore, #tpu.memory_space<semaphore_mem>>
      %dma_start3A_1093 = tpu.memref_squeeze %dma_start3A_1092 : memref<1x!tpu.dma_semaphore, #tpu.memory_space<semaphore_mem>> -> memref<!tpu.dma_semaphore, #tpu.memory_space<semaphore_mem>>
      %dma_start3A_1094 = arith.constant 0 : i32
      %dma_start3A_1095 = arith.constant 0 : i32
      %dma_start3A_1096 = tpu.memref_slice %arg17[%arg1, %dma_start3A_1082, %dma_start3A_1094, %dma_start3A_1095] : memref<16x2x4x4096xf32, #tpu.memory_space<vmem_shared>> -> memref<1x1x4x4096xf32, #tpu.memory_space<vmem_shared>>
      %dma_start3A_1097 = tpu.memref_squeeze %dma_start3A_1096 : memref<1x1x4x4096xf32, #tpu.memory_space<vmem_shared>> -> memref<4x4096xf32, #tpu.memory_space<vmem_shared>>
      %dma_start3A_1098 = arith.constant 0 : i32
      %dma_start3A_1099 = arith.constant 0 : i32
      %dma_start3A_1100 = tpu.memref_slice %arg14[%dma_start3A_1081, %dma_start3A_1098, %dma_start3A_1099] : memref<4x4x4096xf32, #tpu.memory_space<vmem>> -> memref<1x4x4096xf32, #tpu.memory_space<vmem>>
      %dma_start3A_1101 = tpu.memref_squeeze %dma_start3A_1100 : memref<1x4x4096xf32, #tpu.memory_space<vmem>> -> memref<4x4096xf32, #tpu.memory_space<vmem>>
      tpu.enqueue_dma source(%dma_start3A_1101 : memref<4x4096xf32, #tpu.memory_space<vmem>>) target(%dma_start3A_1097 : memref<4x4096xf32, #tpu.memory_space<vmem_shared>>) target_semaphore(%dma_start3A_1093 : memref<!tpu.dma_semaphore, #tpu.memory_space<semaphore_mem>>)
      %lt3A_1102 = arith.constant 31 : i32
      %lt3A_1103 = arith.cmpi slt, %scan3A_89, %lt3A_1102 : i32
      %convert_element_type3A_1104 = arith.extui %lt3A_1103 : i1 to i32
      %cond3A_1105 = arith.constant 0 : i32
      %cond3A_1106 = arith.cmpi ne, %convert_element_type3A_1104, %cond3A_1105 : i32
      scf.if %cond3A_1106 {
        %add3A_1369 = arith.constant 2 : i32
        %add3A_1370 = arith.addi %add3A_1051, %add3A_1369 : i32
        %dma_start3A_1371 = arith.constant 1 : i32
        %dma_start3A_1372 = arith.constant 1 : i32
        %dma_start3A_1373 = arith.constant 0 : i32
        %dma_start3A_1374 = arith.constant 0 : i32
        %dma_start3A_1375 = tpu.memref_slice %arg14[%dma_start3A_1371, %dma_start3A_1373, %dma_start3A_1374] : memref<4x4x4096xf32, #tpu.memory_space<vmem>> -> memref<1x4x4096xf32, #tpu.memory_space<vmem>>
        %dma_start3A_1376 = tpu.memref_squeeze %dma_start3A_1375 : memref<1x4x4096xf32, #tpu.memory_space<vmem>> -> memref<4x4096xf32, #tpu.memory_space<vmem>>
        %dma_start3A_1377 = arith.constant 0 : i32
        %dma_start3A_1378 = tpu.memref_slice %arg10[%add3A_1370, %dma_start3A_1377] : memref<128x4xi32, #tpu.memory_space<vmem>> -> memref<1x4xi32, #tpu.memory_space<vmem>>
        %dma_start3A_1379 = tpu.memref_squeeze %dma_start3A_1378 : memref<1x4xi32, #tpu.memory_space<vmem>> -> memref<4xi32, #tpu.memory_space<vmem>>
        %dma_start3A_1380 = arith.constant 0 : i32
        %dma_start3A_1381 = arith.constant 0 : i32
        %dma_start3A_1382 = tpu.memref_slice %arg2[%dma_start3A_1380, %dma_start3A_1381] : memref<4096x4096xf32, #tpu.memory_space<hbm>> -> memref<4096x4096xf32, #tpu.memory_space<hbm>>
        %dma_start3A_1383 = tpu.memref_slice %arg18[%dma_start3A_1372] : memref<4x!tpu.dma_semaphore, #tpu.memory_space<semaphore_mem>> -> memref<1x!tpu.dma_semaphore, #tpu.memory_space<semaphore_mem>>
        %dma_start3A_1384 = tpu.memref_squeeze %dma_start3A_1383 : memref<1x!tpu.dma_semaphore, #tpu.memory_space<semaphore_mem>> -> memref<!tpu.dma_semaphore, #tpu.memory_space<semaphore_mem>>
        tpu.enqueue_indirect_dma source(%dma_start3A_1382 : memref<4096x4096xf32, #tpu.memory_space<hbm>>) target(%dma_start3A_1376 : memref<4x4096xf32, #tpu.memory_space<vmem>>) offsets(%dma_start3A_1379 : memref<4xi32, #tpu.memory_space<vmem>>) semaphore(%dma_start3A_1384 : memref<!tpu.dma_semaphore, #tpu.memory_space<semaphore_mem>>)
      } else {
      }
      %slice3A_1107 = vector.extract_strided_slice %get3A_94 {offsets = [12], sizes = [1], strides = [1]} : vector<16xi32> to vector<1xi32>
      %squeeze3A_1108 = vector.extract %slice3A_1107[0] : i32 from vector<1xi32>
      %jit3A_1109 = arith.constant 16 : i32
      %div3A_1110 = arith.divsi %squeeze3A_1108, %jit3A_1109 : i32
      %sign3A_1111 = arith.constant 0 : i32
      %sign3A_1112 = arith.cmpi sgt, %squeeze3A_1108, %sign3A_1111 : i32
      %sign3A_1113 = arith.extui %sign3A_1112 : i1 to i32
      %sign3A_1114 = arith.constant 0 : i32
      %sign3A_1115 = arith.cmpi slt, %squeeze3A_1108, %sign3A_1114 : i32
      %sign3A_1116 = arith.extui %sign3A_1115 : i1 to i32
      %sign3A_1117 = arith.subi %sign3A_1113, %sign3A_1116 : i32
      %sign3A_1118 = arith.constant 0 : i32
      %sign3A_1119 = arith.cmpi sgt, %jit3A_1109, %sign3A_1118 : i32
      %sign3A_1120 = arith.extui %sign3A_1119 : i1 to i32
      %sign3A_1121 = arith.constant 0 : i32
      %sign3A_1122 = arith.cmpi slt, %jit3A_1109, %sign3A_1121 : i32
      %sign3A_1123 = arith.extui %sign3A_1122 : i1 to i32
      %sign3A_1124 = arith.subi %sign3A_1120, %sign3A_1123 : i32
      %ne3A_1125 = arith.cmpi ne, %sign3A_1117, %sign3A_1124 : i32
      %rem3A_1126 = arith.remsi %squeeze3A_1108, %jit3A_1109 : i32
      %ne3A_1127 = arith.constant 0 : i32
      %ne3A_1128 = arith.cmpi ne, %rem3A_1126, %ne3A_1127 : i32
      %and3A_1129 = arith.andi %ne3A_1125, %ne3A_1128 : i1
      %sub3A_1130 = arith.constant 1 : i32
      %sub3A_1131 = arith.subi %div3A_1110, %sub3A_1130 : i32
      %select_n3A_1132 = arith.select %and3A_1129, %sub3A_1131, %div3A_1110 : i32
      %mul3A_1133 = arith.constant 16 : i32
      %mul3A_1134 = arith.muli %select_n3A_1132, %mul3A_1133 : i32
      %get3A_1135 = arith.constant 3 : i32
      %get3A_1136 = arith.constant 0 : i32
      %get3A_1137 = arith.index_cast %get3A_1135 : i32 to index
      %get3A_1138 = arith.index_cast %get3A_1136 : i32 to index
      %get3A_1139 = arith.index_cast %mul3A_1134 : i32 to index
      %get3A_1140 = tpu.vector_load %arg14[%get3A_1137, %get3A_1138, %get3A_1139] {strides = array<i32>} : memref<4x4x4096xf32, #tpu.memory_space<vmem>>, vector<1x1x16xf32>,
      %get3A_1141 = vector.shape_cast %get3A_1140 : vector<1x1x16xf32> to vector<16xf32>
      %jit3A_1142 = arith.constant 16 : i32
      %eq3A_1143 = arith.constant 0 : i32
      %eq3A_1144 = arith.cmpi eq, %jit3A_1142, %eq3A_1143 : i32
      %jit3A_1145 = arith.constant 1 : i32
      %select_n3A_1146 = arith.select %eq3A_1144, %jit3A_1145, %jit3A_1142 : i32
      %rem3A_1147 = arith.remsi %squeeze3A_1108, %select_n3A_1146 : i32
      %ne3A_1148 = arith.constant 0 : i32
      %ne3A_1149 = arith.cmpi ne, %rem3A_1147, %ne3A_1148 : i32
      %lt3A_1150 = arith.constant 0 : i32
      %lt3A_1151 = arith.cmpi slt, %rem3A_1147, %lt3A_1150 : i32
      %lt3A_1152 = arith.constant 0 : i32
      %lt3A_1153 = arith.cmpi slt, %select_n3A_1146, %lt3A_1152 : i32
      %ne3A_1154 = arith.xori %lt3A_1151, %lt3A_1153 : i1
      %and3A_1155 = arith.andi %ne3A_1154, %ne3A_1149 : i1
      %add3A_1156 = arith.addi %rem3A_1147, %select_n3A_1146 : i32
      %select_n3A_1157 = arith.select %and3A_1155, %add3A_1156, %rem3A_1147 : i32
      %eq3A_1158 = vector.broadcast %select_n3A_1157 : i32 to vector<16xi32>
      %eq3A_1159 = arith.cmpi eq, %iota3A, %eq3A_1158 : vector<16xi32>
      %jit3A_1160 = arith.constant 0.000000e+00 : f32
      %broadcast_in_dim3A_1161 = vector.broadcast %jit3A_1160 : f32 to vector<16xf32>
      %select_n3A_1162 = arith.select %eq3A_1159, %get3A_1141, %broadcast_in_dim3A_1161 : vector<16xi1>, vector<16xf32>
      %add3A_1163 = arith.addf %add3A_1013, %select_n3A_1162 : vector<16xf32>
      %slice3A_1164 = vector.extract_strided_slice %get3A_94 {offsets = [13], sizes = [1], strides = [1]} : vector<16xi32> to vector<1xi32>
      %squeeze3A_1165 = vector.extract %slice3A_1164[0] : i32 from vector<1xi32>
      %jit3A_1166 = arith.constant 16 : i32
      %div3A_1167 = arith.divsi %squeeze3A_1165, %jit3A_1166 : i32
      %sign3A_1168 = arith.constant 0 : i32
      %sign3A_1169 = arith.cmpi sgt, %squeeze3A_1165, %sign3A_1168 : i32
      %sign3A_1170 = arith.extui %sign3A_1169 : i1 to i32
      %sign3A_1171 = arith.constant 0 : i32
      %sign3A_1172 = arith.cmpi slt, %squeeze3A_1165, %sign3A_1171 : i32
      %sign3A_1173 = arith.extui %sign3A_1172 : i1 to i32
      %sign3A_1174 = arith.subi %sign3A_1170, %sign3A_1173 : i32
      %sign3A_1175 = arith.constant 0 : i32
      %sign3A_1176 = arith.cmpi sgt, %jit3A_1166, %sign3A_1175 : i32
      %sign3A_1177 = arith.extui %sign3A_1176 : i1 to i32
      %sign3A_1178 = arith.constant 0 : i32
      %sign3A_1179 = arith.cmpi slt, %jit3A_1166, %sign3A_1178 : i32
      %sign3A_1180 = arith.extui %sign3A_1179 : i1 to i32
      %sign3A_1181 = arith.subi %sign3A_1177, %sign3A_1180 : i32
      %ne3A_1182 = arith.cmpi ne, %sign3A_1174, %sign3A_1181 : i32
      %rem3A_1183 = arith.remsi %squeeze3A_1165, %jit3A_1166 : i32
      %ne3A_1184 = arith.constant 0 : i32
      %ne3A_1185 = arith.cmpi ne, %rem3A_1183, %ne3A_1184 : i32
      %and3A_1186 = arith.andi %ne3A_1182, %ne3A_1185 : i1
      %sub3A_1187 = arith.constant 1 : i32
      %sub3A_1188 = arith.subi %div3A_1167, %sub3A_1187 : i32
      %select_n3A_1189 = arith.select %and3A_1186, %sub3A_1188, %div3A_1167 : i32
      %mul3A_1190 = arith.constant 16 : i32
      %mul3A_1191 = arith.muli %select_n3A_1189, %mul3A_1190 : i32
      %get3A_1192 = arith.constant 3 : i32
      %get3A_1193 = arith.constant 1 : i32
      %get3A_1194 = arith.index_cast %get3A_1192 : i32 to index
      %get3A_1195 = arith.index_cast %get3A_1193 : i32 to index
      %get3A_1196 = arith.index_cast %mul3A_1191 : i32 to index
      %get3A_1197 = tpu.vector_load %arg14[%get3A_1194, %get3A_1195, %get3A_1196] {strides = array<i32>} : memref<4x4x4096xf32, #tpu.memory_space<vmem>>, vector<1x1x16xf32>,
      %get3A_1198 = vector.shape_cast %get3A_1197 : vector<1x1x16xf32> to vector<16xf32>
      %jit3A_1199 = arith.constant 16 : i32
      %eq3A_1200 = arith.constant 0 : i32
      %eq3A_1201 = arith.cmpi eq, %jit3A_1199, %eq3A_1200 : i32
      %jit3A_1202 = arith.constant 1 : i32
      %select_n3A_1203 = arith.select %eq3A_1201, %jit3A_1202, %jit3A_1199 : i32
      %rem3A_1204 = arith.remsi %squeeze3A_1165, %select_n3A_1203 : i32
      %ne3A_1205 = arith.constant 0 : i32
      %ne3A_1206 = arith.cmpi ne, %rem3A_1204, %ne3A_1205 : i32
      %lt3A_1207 = arith.constant 0 : i32
      %lt3A_1208 = arith.cmpi slt, %rem3A_1204, %lt3A_1207 : i32
      %lt3A_1209 = arith.constant 0 : i32
      %lt3A_1210 = arith.cmpi slt, %select_n3A_1203, %lt3A_1209 : i32
      %ne3A_1211 = arith.xori %lt3A_1208, %lt3A_1210 : i1
      %and3A_1212 = arith.andi %ne3A_1211, %ne3A_1206 : i1
      %add3A_1213 = arith.addi %rem3A_1204, %select_n3A_1203 : i32
      %select_n3A_1214 = arith.select %and3A_1212, %add3A_1213, %rem3A_1204 : i32
      %eq3A_1215 = vector.broadcast %select_n3A_1214 : i32 to vector<16xi32>
      %eq3A_1216 = arith.cmpi eq, %iota3A, %eq3A_1215 : vector<16xi32>
      %jit3A_1217 = arith.constant 0.000000e+00 : f32
      %broadcast_in_dim3A_1218 = vector.broadcast %jit3A_1217 : f32 to vector<16xf32>
      %select_n3A_1219 = arith.select %eq3A_1216, %get3A_1198, %broadcast_in_dim3A_1218 : vector<16xi1>, vector<16xf32>
      %add3A_1220 = arith.addf %add3A_1163, %select_n3A_1219 : vector<16xf32>
      %slice3A_1221 = vector.extract_strided_slice %get3A_94 {offsets = [14], sizes = [1], strides = [1]} : vector<16xi32> to vector<1xi32>
      %squeeze3A_1222 = vector.extract %slice3A_1221[0] : i32 from vector<1xi32>
      %jit3A_1223 = arith.constant 16 : i32
      %div3A_1224 = arith.divsi %squeeze3A_1222, %jit3A_1223 : i32
      %sign3A_1225 = arith.constant 0 : i32
      %sign3A_1226 = arith.cmpi sgt, %squeeze3A_1222, %sign3A_1225 : i32
      %sign3A_1227 = arith.extui %sign3A_1226 : i1 to i32
      %sign3A_1228 = arith.constant 0 : i32
      %sign3A_1229 = arith.cmpi slt, %squeeze3A_1222, %sign3A_1228 : i32
      %sign3A_1230 = arith.extui %sign3A_1229 : i1 to i32
      %sign3A_1231 = arith.subi %sign3A_1227, %sign3A_1230 : i32
      %sign3A_1232 = arith.constant 0 : i32
      %sign3A_1233 = arith.cmpi sgt, %jit3A_1223, %sign3A_1232 : i32
      %sign3A_1234 = arith.extui %sign3A_1233 : i1 to i32
      %sign3A_1235 = arith.constant 0 : i32
      %sign3A_1236 = arith.cmpi slt, %jit3A_1223, %sign3A_1235 : i32
      %sign3A_1237 = arith.extui %sign3A_1236 : i1 to i32
      %sign3A_1238 = arith.subi %sign3A_1234, %sign3A_1237 : i32
      %ne3A_1239 = arith.cmpi ne, %sign3A_1231, %sign3A_1238 : i32
      %rem3A_1240 = arith.remsi %squeeze3A_1222, %jit3A_1223 : i32
      %ne3A_1241 = arith.constant 0 : i32
      %ne3A_1242 = arith.cmpi ne, %rem3A_1240, %ne3A_1241 : i32
      %and3A_1243 = arith.andi %ne3A_1239, %ne3A_1242 : i1
      %sub3A_1244 = arith.constant 1 : i32
      %sub3A_1245 = arith.subi %div3A_1224, %sub3A_1244 : i32
      %select_n3A_1246 = arith.select %and3A_1243, %sub3A_1245, %div3A_1224 : i32
      %mul3A_1247 = arith.constant 16 : i32
      %mul3A_1248 = arith.muli %select_n3A_1246, %mul3A_1247 : i32
      %get3A_1249 = arith.constant 3 : i32
      %get3A_1250 = arith.constant 2 : i32
      %get3A_1251 = arith.index_cast %get3A_1249 : i32 to index
      %get3A_1252 = arith.index_cast %get3A_1250 : i32 to index
      %get3A_1253 = arith.index_cast %mul3A_1248 : i32 to index
      %get3A_1254 = tpu.vector_load %arg14[%get3A_1251, %get3A_1252, %get3A_1253] {strides = array<i32>} : memref<4x4x4096xf32, #tpu.memory_space<vmem>>, vector<1x1x16xf32>,
      %get3A_1255 = vector.shape_cast %get3A_1254 : vector<1x1x16xf32> to vector<16xf32>
      %jit3A_1256 = arith.constant 16 : i32
      %eq3A_1257 = arith.constant 0 : i32
      %eq3A_1258 = arith.cmpi eq, %jit3A_1256, %eq3A_1257 : i32
      %jit3A_1259 = arith.constant 1 : i32
      %select_n3A_1260 = arith.select %eq3A_1258, %jit3A_1259, %jit3A_1256 : i32
      %rem3A_1261 = arith.remsi %squeeze3A_1222, %select_n3A_1260 : i32
      %ne3A_1262 = arith.constant 0 : i32
      %ne3A_1263 = arith.cmpi ne, %rem3A_1261, %ne3A_1262 : i32
      %lt3A_1264 = arith.constant 0 : i32
      %lt3A_1265 = arith.cmpi slt, %rem3A_1261, %lt3A_1264 : i32
      %lt3A_1266 = arith.constant 0 : i32
      %lt3A_1267 = arith.cmpi slt, %select_n3A_1260, %lt3A_1266 : i32
      %ne3A_1268 = arith.xori %lt3A_1265, %lt3A_1267 : i1
      %and3A_1269 = arith.andi %ne3A_1268, %ne3A_1263 : i1
      %add3A_1270 = arith.addi %rem3A_1261, %select_n3A_1260 : i32
      %select_n3A_1271 = arith.select %and3A_1269, %add3A_1270, %rem3A_1261 : i32
      %eq3A_1272 = vector.broadcast %select_n3A_1271 : i32 to vector<16xi32>
      %eq3A_1273 = arith.cmpi eq, %iota3A, %eq3A_1272 : vector<16xi32>
      %jit3A_1274 = arith.constant 0.000000e+00 : f32
      %broadcast_in_dim3A_1275 = vector.broadcast %jit3A_1274 : f32 to vector<16xf32>
      %select_n3A_1276 = arith.select %eq3A_1273, %get3A_1255, %broadcast_in_dim3A_1275 : vector<16xi1>, vector<16xf32>
      %add3A_1277 = arith.addf %add3A_1220, %select_n3A_1276 : vector<16xf32>
      %slice3A_1278 = vector.extract_strided_slice %get3A_94 {offsets = [15], sizes = [1], strides = [1]} : vector<16xi32> to vector<1xi32>
      %squeeze3A_1279 = vector.extract %slice3A_1278[0] : i32 from vector<1xi32>
      %jit3A_1280 = arith.constant 16 : i32
      %div3A_1281 = arith.divsi %squeeze3A_1279, %jit3A_1280 : i32
      %sign3A_1282 = arith.constant 0 : i32
      %sign3A_1283 = arith.cmpi sgt, %squeeze3A_1279, %sign3A_1282 : i32
      %sign3A_1284 = arith.extui %sign3A_1283 : i1 to i32
      %sign3A_1285 = arith.constant 0 : i32
      %sign3A_1286 = arith.cmpi slt, %squeeze3A_1279, %sign3A_1285 : i32
      %sign3A_1287 = arith.extui %sign3A_1286 : i1 to i32
      %sign3A_1288 = arith.subi %sign3A_1284, %sign3A_1287 : i32
      %sign3A_1289 = arith.constant 0 : i32
      %sign3A_1290 = arith.cmpi sgt, %jit3A_1280, %sign3A_1289 : i32
      %sign3A_1291 = arith.extui %sign3A_1290 : i1 to i32
      %sign3A_1292 = arith.constant 0 : i32
      %sign3A_1293 = arith.cmpi slt, %jit3A_1280, %sign3A_1292 : i32
      %sign3A_1294 = arith.extui %sign3A_1293 : i1 to i32
      %sign3A_1295 = arith.subi %sign3A_1291, %sign3A_1294 : i32
      %ne3A_1296 = arith.cmpi ne, %sign3A_1288, %sign3A_1295 : i32
      %rem3A_1297 = arith.remsi %squeeze3A_1279, %jit3A_1280 : i32
      %ne3A_1298 = arith.constant 0 : i32
      %ne3A_1299 = arith.cmpi ne, %rem3A_1297, %ne3A_1298 : i32
      %and3A_1300 = arith.andi %ne3A_1296, %ne3A_1299 : i1
      %sub3A_1301 = arith.constant 1 : i32
      %sub3A_1302 = arith.subi %div3A_1281, %sub3A_1301 : i32
      %select_n3A_1303 = arith.select %and3A_1300, %sub3A_1302, %div3A_1281 : i32
      %mul3A_1304 = arith.constant 16 : i32
      %mul3A_1305 = arith.muli %select_n3A_1303, %mul3A_1304 : i32
      %get3A_1306 = arith.constant 3 : i32
      %get3A_1307 = arith.constant 3 : i32
      %get3A_1308 = arith.index_cast %get3A_1306 : i32 to index
      %get3A_1309 = arith.index_cast %get3A_1307 : i32 to index
      %get3A_1310 = arith.index_cast %mul3A_1305 : i32 to index
      %get3A_1311 = tpu.vector_load %arg14[%get3A_1308, %get3A_1309, %get3A_1310] {strides = array<i32>} : memref<4x4x4096xf32, #tpu.memory_space<vmem>>, vector<1x1x16xf32>,
      %get3A_1312 = vector.shape_cast %get3A_1311 : vector<1x1x16xf32> to vector<16xf32>
      %jit3A_1313 = arith.constant 16 : i32
      %eq3A_1314 = arith.constant 0 : i32
      %eq3A_1315 = arith.cmpi eq, %jit3A_1313, %eq3A_1314 : i32
      %jit3A_1316 = arith.constant 1 : i32
      %select_n3A_1317 = arith.select %eq3A_1315, %jit3A_1316, %jit3A_1313 : i32
      %rem3A_1318 = arith.remsi %squeeze3A_1279, %select_n3A_1317 : i32
      %ne3A_1319 = arith.constant 0 : i32
      %ne3A_1320 = arith.cmpi ne, %rem3A_1318, %ne3A_1319 : i32
      %lt3A_1321 = arith.constant 0 : i32
      %lt3A_1322 = arith.cmpi slt, %rem3A_1318, %lt3A_1321 : i32
      %lt3A_1323 = arith.constant 0 : i32
      %lt3A_1324 = arith.cmpi slt, %select_n3A_1317, %lt3A_1323 : i32
      %ne3A_1325 = arith.xori %lt3A_1322, %lt3A_1324 : i1
      %and3A_1326 = arith.andi %ne3A_1325, %ne3A_1320 : i1
      %add3A_1327 = arith.addi %rem3A_1318, %select_n3A_1317 : i32
      %select_n3A_1328 = arith.select %and3A_1326, %add3A_1327, %rem3A_1318 : i32
      %eq3A_1329 = vector.broadcast %select_n3A_1328 : i32 to vector<16xi32>
      %eq3A_1330 = arith.cmpi eq, %iota3A, %eq3A_1329 : vector<16xi32>
      %jit3A_1331 = arith.constant 0.000000e+00 : f32
      %broadcast_in_dim3A_1332 = vector.broadcast %jit3A_1331 : f32 to vector<16xf32>
      %select_n3A_1333 = arith.select %eq3A_1330, %get3A_1312, %broadcast_in_dim3A_1332 : vector<16xi1>, vector<16xf32>
      %add3A_1334 = arith.addf %add3A_1277, %select_n3A_1333 : vector<16xf32>
      %dma_wait3A_1335 = arith.constant 3 : i32
      %dma_wait3A_1336 = arith.constant 1 : i32
      %dma_wait3A_1337 = arith.constant 3 : i32
      %dma_wait3A_1338 = arith.constant 0 : i32
      %dma_wait3A_1339 = arith.constant 0 : i32
      %dma_wait3A_1340 = tpu.memref_slice %arg14[%dma_wait3A_1335, %dma_wait3A_1338, %dma_wait3A_1339] : memref<4x4x4096xf32, #tpu.memory_space<vmem>> -> memref<1x4x4096xf32, #tpu.memory_space<vmem>>
      %dma_wait3A_1341 = tpu.memref_squeeze %dma_wait3A_1340 : memref<1x4x4096xf32, #tpu.memory_space<vmem>> -> memref<4x4096xf32, #tpu.memory_space<vmem>>
      %dma_wait3A_1342 = arith.constant 0 : i32
      %dma_wait3A_1343 = arith.constant 0 : i32
      %dma_wait3A_1344 = tpu.memref_slice %arg17[%arg1, %dma_wait3A_1336, %dma_wait3A_1342, %dma_wait3A_1343] : memref<16x2x4x4096xf32, #tpu.memory_space<vmem_shared>> -> memref<1x1x4x4096xf32, #tpu.memory_space<vmem_shared>>
      %dma_wait3A_1345 = tpu.memref_squeeze %dma_wait3A_1344 : memref<1x1x4x4096xf32, #tpu.memory_space<vmem_shared>> -> memref<4x4096xf32, #tpu.memory_space<vmem_shared>>
      %dma_wait3A_1346 = tpu.memref_slice %arg19[%dma_wait3A_1337] : memref<4x!tpu.dma_semaphore, #tpu.memory_space<semaphore_mem>> -> memref<1x!tpu.dma_semaphore, #tpu.memory_space<semaphore_mem>>
      %dma_wait3A_1347 = tpu.memref_squeeze %dma_wait3A_1346 : memref<1x!tpu.dma_semaphore, #tpu.memory_space<semaphore_mem>> -> memref<!tpu.dma_semaphore, #tpu.memory_space<semaphore_mem>>
      %dma_wait3A_1348 = arith.constant 0 : i32
      %dma_wait3A_1349 = arith.constant 0 : i32
      %dma_wait3A_1350 = tpu.memref_slice %arg17[%arg1, %dma_wait3A_1336, %dma_wait3A_1348, %dma_wait3A_1349] : memref<16x2x4x4096xf32, #tpu.memory_space<vmem_shared>> -> memref<1x1x4x4096xf32, #tpu.memory_space<vmem_shared>>
      %dma_wait3A_1351 = tpu.memref_squeeze %dma_wait3A_1350 : memref<1x1x4x4096xf32, #tpu.memory_space<vmem_shared>> -> memref<4x4096xf32, #tpu.memory_space<vmem_shared>>
      %dma_wait3A_1352 = arith.constant 0 : i32
      %dma_wait3A_1353 = arith.constant 0 : i32
      %dma_wait3A_1354 = tpu.memref_slice %arg14[%dma_wait3A_1335, %dma_wait3A_1352, %dma_wait3A_1353] : memref<4x4x4096xf32, #tpu.memory_space<vmem>> -> memref<1x4x4096xf32, #tpu.memory_space<vmem>>
      %dma_wait3A_1355 = tpu.memref_squeeze %dma_wait3A_1354 : memref<1x4x4096xf32, #tpu.memory_space<vmem>> -> memref<4x4096xf32, #tpu.memory_space<vmem>>
      tpu.wait_dma2 semaphore(%dma_wait3A_1347 : memref<!tpu.dma_semaphore, #tpu.memory_space<semaphore_mem>>) src(%dma_wait3A_1355 : memref<4x4096xf32, #tpu.memory_space<vmem>>) dst(%dma_wait3A_1351 : memref<4x4096xf32, #tpu.memory_space<vmem_shared>>)
      %mul3A_1356 = arith.constant 4 : i32
      %mul3A_1357 = arith.muli %add3A_1051, %mul3A_1356 : i32
      %add3A_1358 = arith.addi %mul3A_2, %mul3A_1357 : i32
      %dma_start3A_1359 = arith.constant 1 : i32
      %dma_start3A_1360 = arith.constant 1 : i32
      %dma_start3A_1361 = tpu.memref_slice %arg20[%dma_start3A_1360] : memref<2x!tpu.dma_semaphore, #tpu.memory_space<semaphore_mem>> -> memref<1x!tpu.dma_semaphore, #tpu.memory_space<semaphore_mem>>
      %dma_start3A_1362 = tpu.memref_squeeze %dma_start3A_1361 : memref<1x!tpu.dma_semaphore, #tpu.memory_space<semaphore_mem>> -> memref<!tpu.dma_semaphore, #tpu.memory_space<semaphore_mem>>
      %dma_start3A_1363 = arith.constant 0 : i32
      %dma_start3A_1364 = tpu.memref_slice %arg6[%add3A_1358, %dma_start3A_1363] : memref<16384x4096xf32, #tpu.memory_space<hbm>> -> memref<4x4096xf32, #tpu.memory_space<hbm>>
      %dma_start3A_1365 = arith.constant 0 : i32
      %dma_start3A_1366 = arith.constant 0 : i32
      %dma_start3A_1367 = tpu.memref_slice %arg17[%arg1, %dma_start3A_1359, %dma_start3A_1365, %dma_start3A_1366] : memref<16x2x4x4096xf32, #tpu.memory_space<vmem_shared>> -> memref<1x1x4x4096xf32, #tpu.memory_space<vmem_shared>>
      %dma_start3A_1368 = tpu.memref_squeeze %dma_start3A_1367 : memref<1x1x4x4096xf32, #tpu.memory_space<vmem_shared>> -> memref<4x4096xf32, #tpu.memory_space<vmem_shared>>
      tpu.enqueue_dma source(%dma_start3A_1368 : memref<4x4096xf32, #tpu.memory_space<vmem_shared>>) target(%dma_start3A_1364 : memref<4x4096xf32, #tpu.memory_space<hbm>>) target_semaphore(%dma_start3A_1362 : memref<!tpu.dma_semaphore, #tpu.memory_space<semaphore_mem>>)
      scf.yield %add3A_1334 : vector<16xf32>
    }
    %scan3A_57 = arith.constant 32 : i32
    %add3A_58 = arith.constant 504 : i32
    %add3A_59 = arith.addi %mul3A_2, %add3A_58 : i32
    %dma_wait3A = arith.constant 0 : i32
    %dma_wait3A_60 = arith.constant 0 : i32
    %dma_wait3A_61 = tpu.memref_slice %arg20[%dma_wait3A_60] : memref<2x!tpu.dma_semaphore, #tpu.memory_space<semaphore_mem>> -> memref<1x!tpu.dma_semaphore, #tpu.memory_space<semaphore_mem>>
    %dma_wait3A_62 = tpu.memref_squeeze %dma_wait3A_61 : memref<1x!tpu.dma_semaphore, #tpu.memory_space<semaphore_mem>> -> memref<!tpu.dma_semaphore, #tpu.memory_space<semaphore_mem>>
    %dma_wait3A_63 = arith.constant 0 : i32
    %dma_wait3A_64 = tpu.memref_slice %arg6[%add3A_59, %dma_wait3A_63] : memref<16384x4096xf32, #tpu.memory_space<hbm>> -> memref<4x4096xf32, #tpu.memory_space<hbm>>
    %dma_wait3A_65 = arith.constant 0 : i32
    %dma_wait3A_66 = arith.constant 0 : i32
    %dma_wait3A_67 = tpu.memref_slice %arg17[%arg1, %dma_wait3A, %dma_wait3A_65, %dma_wait3A_66] : memref<16x2x4x4096xf32, #tpu.memory_space<vmem_shared>> -> memref<1x1x4x4096xf32, #tpu.memory_space<vmem_shared>>
    %dma_wait3A_68 = tpu.memref_squeeze %dma_wait3A_67 : memref<1x1x4x4096xf32, #tpu.memory_space<vmem_shared>> -> memref<4x4096xf32, #tpu.memory_space<vmem_shared>>
    tpu.wait_dma2 semaphore(%dma_wait3A_62 : memref<!tpu.dma_semaphore, #tpu.memory_space<semaphore_mem>>) src(%dma_wait3A_68 : memref<4x4096xf32, #tpu.memory_space<vmem_shared>>) dst(%dma_wait3A_64 : memref<4x4096xf32, #tpu.memory_space<hbm>>)
    %add3A_69 = arith.constant 508 : i32
    %add3A_70 = arith.addi %mul3A_2, %add3A_69 : i32
    %dma_wait3A_71 = arith.constant 1 : i32
    %dma_wait3A_72 = arith.constant 1 : i32
    %dma_wait3A_73 = tpu.memref_slice %arg20[%dma_wait3A_72] : memref<2x!tpu.dma_semaphore, #tpu.memory_space<semaphore_mem>> -> memref<1x!tpu.dma_semaphore, #tpu.memory_space<semaphore_mem>>
    %dma_wait3A_74 = tpu.memref_squeeze %dma_wait3A_73 : memref<1x!tpu.dma_semaphore, #tpu.memory_space<semaphore_mem>> -> memref<!tpu.dma_semaphore, #tpu.memory_space<semaphore_mem>>
    %dma_wait3A_75 = arith.constant 0 : i32
    %dma_wait3A_76 = tpu.memref_slice %arg6[%add3A_70, %dma_wait3A_75] : memref<16384x4096xf32, #tpu.memory_space<hbm>> -> memref<4x4096xf32, #tpu.memory_space<hbm>>
    %dma_wait3A_77 = arith.constant 0 : i32
    %dma_wait3A_78 = arith.constant 0 : i32
    %dma_wait3A_79 = tpu.memref_slice %arg17[%arg1, %dma_wait3A_71, %dma_wait3A_77, %dma_wait3A_78] : memref<16x2x4x4096xf32, #tpu.memory_space<vmem_shared>> -> memref<1x1x4x4096xf32, #tpu.memory_space<vmem_shared>>
    %dma_wait3A_80 = tpu.memref_squeeze %dma_wait3A_79 : memref<1x1x4x4096xf32, #tpu.memory_space<vmem_shared>> -> memref<4x4096xf32, #tpu.memory_space<vmem_shared>>
    tpu.wait_dma2 semaphore(%dma_wait3A_74 : memref<!tpu.dma_semaphore, #tpu.memory_space<semaphore_mem>>) src(%dma_wait3A_80 : memref<4x4096xf32, #tpu.memory_space<vmem_shared>>) dst(%dma_wait3A_76 : memref<4x4096xf32, #tpu.memory_space<hbm>>)
    %swap3A = arith.constant 0 : index
    %swap3A_81 = tpu.vector_load %arg15[%swap3A] {strides = array<i32>} : memref<16xf32, #tpu.memory_space<vmem>>, vector<16xf32>,
    %swap3A_82 = vector.shape_cast %swap3A_81 : vector<16xf32> to vector<16xf32>
    %swap3A_83 = vector.shape_cast %scan3A_56 : vector<16xf32> to vector<16xf32>
    tpu.vector_store %arg15[%swap3A], %swap3A_83 {strides = array<i32>} : memref<16xf32, #tpu.memory_space<vmem>>, vector<16xf32>,
    "tpu.region"() ({
      %run_scoped3A = tpu.sem_alloc : memref<!tpu.dma_semaphore, #tpu.memory_space<semaphore_mem>>
      %dma_start3A_89 = arith.constant 0 : i32
      %dma_start3A_90 = tpu.memref_slice %arg7[%add3A, %dma_start3A_89] : memref<32x16xf32, #tpu.memory_space<hbm>> -> memref<1x16xf32, #tpu.memory_space<hbm>>
      %dma_start3A_91 = tpu.memref_squeeze %dma_start3A_90 : memref<1x16xf32, #tpu.memory_space<hbm>> -> memref<16xf32, #tpu.memory_space<hbm>>
      %dma_start3A_92 = arith.constant 0 : i32
      %dma_start3A_93 = tpu.memref_slice %arg7[%add3A, %dma_start3A_92] : memref<32x16xf32, #tpu.memory_space<hbm>> -> memref<1x16xf32, #tpu.memory_space<hbm>>
      %dma_start3A_94 = tpu.memref_squeeze %dma_start3A_93 : memref<1x16xf32, #tpu.memory_space<hbm>> -> memref<16xf32, #tpu.memory_space<hbm>>
      tpu.enqueue_dma source(%arg15 : memref<16xf32, #tpu.memory_space<vmem>>) target(%dma_start3A_94 : memref<16xf32, #tpu.memory_space<hbm>>) target_semaphore(%run_scoped3A : memref<!tpu.dma_semaphore, #tpu.memory_space<semaphore_mem>>)
      %dma_wait3A_95 = arith.constant 0 : i32
      %dma_wait3A_96 = tpu.memref_slice %arg7[%add3A, %dma_wait3A_95] : memref<32x16xf32, #tpu.memory_space<hbm>> -> memref<1x16xf32, #tpu.memory_space<hbm>>
      %dma_wait3A_97 = tpu.memref_squeeze %dma_wait3A_96 : memref<1x16xf32, #tpu.memory_space<hbm>> -> memref<16xf32, #tpu.memory_space<hbm>>
      %dma_wait3A_98 = arith.constant 0 : i32
      %dma_wait3A_99 = tpu.memref_slice %arg7[%add3A, %dma_wait3A_98] : memref<32x16xf32, #tpu.memory_space<hbm>> -> memref<1x16xf32, #tpu.memory_space<hbm>>
      %dma_wait3A_100 = tpu.memref_squeeze %dma_wait3A_99 : memref<1x16xf32, #tpu.memory_space<hbm>> -> memref<16xf32, #tpu.memory_space<hbm>>
      tpu.wait_dma2 semaphore(%run_scoped3A : memref<!tpu.dma_semaphore, #tpu.memory_space<semaphore_mem>>) src(%arg15 : memref<16xf32, #tpu.memory_space<vmem>>) dst(%dma_wait3A_100 : memref<16xf32, #tpu.memory_space<hbm>>)
      tpu.yield
    }) : () -> ()
    %dma_wait3A_84 = arith.constant 0 : i32
    %dma_wait3A_85 = tpu.memref_slice %arg16[%dma_wait3A_84] : memref<4096xf32, #tpu.memory_space<vmem_shared>> -> memref<4096xf32, #tpu.memory_space<vmem_shared>>
    tpu.wait_indirect_dma semaphore(%arg21 : memref<!tpu.dma_semaphore, #tpu.memory_space<semaphore_mem>>) src(%arg12 : memref<512xf32, #tpu.memory_space<vmem>>) dst(%dma_wait3A_85 : memref<4096xf32, #tpu.memory_space<vmem_shared>>)
    %barrier3A_86 = arith.constant 0 : index
    tpu.barrier barrier_id(%barrier3A_86)
    %eq3A = arith.constant 0 : i32
    %eq3A_87 = arith.cmpi eq, %arg1, %eq3A : i32
    %convert_element_type3A = arith.extui %eq3A_87 : i1 to i32
    %cond3A = arith.constant 0 : i32
    %cond3A_88 = arith.cmpi ne, %convert_element_type3A, %cond3A : i32
    scf.if %cond3A_88 {
      "tpu.region"() ({
        %run_scoped3A = tpu.sem_alloc : memref<!tpu.dma_semaphore, #tpu.memory_space<semaphore_mem>>
        %dma_start3A_89 = arith.constant 0 : i32
        %dma_start3A_90 = tpu.memref_slice %arg8[%arg0, %dma_start3A_89] : memref<2x4096xf32, #tpu.memory_space<hbm>> -> memref<1x4096xf32, #tpu.memory_space<hbm>>
        %dma_start3A_91 = tpu.memref_squeeze %dma_start3A_90 : memref<1x4096xf32, #tpu.memory_space<hbm>> -> memref<4096xf32, #tpu.memory_space<hbm>>
        tpu.enqueue_dma source(%arg16 : memref<4096xf32, #tpu.memory_space<vmem_shared>>) target(%dma_start3A_91 : memref<4096xf32, #tpu.memory_space<hbm>>) target_semaphore(%run_scoped3A : memref<!tpu.dma_semaphore, #tpu.memory_space<semaphore_mem>>)
        %dma_wait3A_92 = arith.constant 0 : i32
        %dma_wait3A_93 = tpu.memref_slice %arg8[%arg0, %dma_wait3A_92] : memref<2x4096xf32, #tpu.memory_space<hbm>> -> memref<1x4096xf32, #tpu.memory_space<hbm>>
        %dma_wait3A_94 = tpu.memref_squeeze %dma_wait3A_93 : memref<1x4096xf32, #tpu.memory_space<hbm>> -> memref<4096xf32, #tpu.memory_space<hbm>>
        tpu.wait_dma2 semaphore(%run_scoped3A : memref<!tpu.dma_semaphore, #tpu.memory_space<semaphore_mem>>) src(%arg16 : memref<4096xf32, #tpu.memory_space<vmem_shared>>) dst(%dma_wait3A_94 : memref<4096xf32, #tpu.memory_space<hbm>>)
        tpu.yield
      }) : () -> ()
    } else {
    }
    return
  }
}

module attributes {stable_mosaic.version = 14 : i64} {
  func.func @_lse_body(%arg0: i32, %arg1: memref<256x4096xf32, #tpu.memory_space<vmem>>, %arg2: memref<256x1xf32, #tpu.memory_space<vmem>>) attributes {dimension_semantics = [#tpu.dimension_semantics<arbitrary>], iteration_bounds = array<i64: 16>, scalar_prefetch = 0 : i64, scratch_operands = 0 : i64, tpu.core_type = #tpu.core_type<tc>, window_params = [{transform_indices = @transform_0, window_bounds = array<i64: 256, 4096>}, {transform_indices = @transform_1, window_bounds = array<i64: 256, 1>}]} {
    %get3A = arith.constant 0 : index
    %get3A_0 = arith.constant 0 : index
    %get3A_1 = vector.load %arg1[%get3A, %get3A_0] : memref<256x4096xf32, #tpu.memory_space<vmem>>, vector<256x4096xf32>
    %reduce_max3A = arith.constant dense<0xFF800000> : vector<256xf32>
    %reduce_max3A_2 = vector.multi_reduction <maximumf>, %get3A_1, %reduce_max3A [1] : vector<256x4096xf32> to vector<256xf32>
    %broadcast_in_dim3A = vector.shape_cast %reduce_max3A_2 : vector<256xf32> to vector<256x1xf32>
    %sub3A = vector.broadcast %broadcast_in_dim3A : vector<256x1xf32> to vector<256x4096xf32>
    %sub3A_3 = arith.subf %get3A_1, %sub3A : vector<256x4096xf32>
    %exp3A = math.exp %sub3A_3 : vector<256x4096xf32>
    %reduce_sum3A = arith.constant dense<0.000000e+00> : vector<256xf32>
    %reduce_sum3A_4 = vector.multi_reduction <add>, %exp3A, %reduce_sum3A [1] : vector<256x4096xf32> to vector<256xf32>
    %broadcast_in_dim3A_5 = vector.shape_cast %reduce_sum3A_4 : vector<256xf32> to vector<256x1xf32>
    %log3A = math.log %broadcast_in_dim3A_5 : vector<256x1xf32>
    %add3A = arith.addf %broadcast_in_dim3A, %log3A : vector<256x1xf32>
    %swap3A = arith.constant 0 : index
    %swap3A_6 = arith.constant 0 : index
    %swap3A_7 = vector.load %arg2[%swap3A, %swap3A_6] : memref<256x1xf32, #tpu.memory_space<vmem>>, vector<256x1xf32>
    tpu.vector_store %arg2[%swap3A, %swap3A_6], %add3A {strides = array<i32>} : memref<256x1xf32, #tpu.memory_space<vmem>>, vector<256x1xf32>,
    return
  }
  func.func @transform_0(%arg0: i32) -> (i32, i32) {
    %c0_i32 = arith.constant 0 : i32
    %c0_i32_0 = arith.constant 0 : i32
    return %arg0, %c0_i32 : i32, i32
  }
  func.func @transform_1(%arg0: i32) -> (i32, i32) {
    %c0_i32 = arith.constant 0 : i32
    %c0_i32_0 = arith.constant 0 : i32
    return %arg0, %c0_i32 : i32, i32
  }
}

module attributes {stable_mosaic.version = 14 : i64} {
  func.func @_combine_body(%arg0: memref<2x4096xf32, #tpu.memory_space<vmem>>, %arg1: memref<4096x1xf32, #tpu.memory_space<vmem>>, %arg2: memref<32x16xf32, #tpu.memory_space<vmem>>, %arg3: memref<1x1xf32, #tpu.memory_space<vmem>>) attributes {dimension_semantics = [], scalar_prefetch = 0 : i64, scratch_operands = 0 : i64, tpu.core_type = #tpu.core_type<tc>} {
    %get3A = arith.constant 0 : index
    %get3A_0 = arith.constant 0 : index
    %get3A_1 = vector.load %arg0[%get3A, %get3A_0] : memref<2x4096xf32, #tpu.memory_space<vmem>>, vector<2x4096xf32>
    %reduce_sum3A = arith.constant dense<0.000000e+00> : vector<4096xf32>
    %reduce_sum3A_2 = vector.multi_reduction <add>, %get3A_1, %reduce_sum3A [0] : vector<2x4096xf32> to vector<4096xf32>
    %broadcast_in_dim3A = vector.shape_cast %reduce_sum3A_2 : vector<4096xf32> to vector<1x4096xf32>
    %get3A_3 = arith.constant 0 : index
    %get3A_4 = arith.constant 0 : index
    %get3A_5 = vector.load %arg1[%get3A_3, %get3A_4] : memref<4096x1xf32, #tpu.memory_space<vmem>>, vector<4096x1xf32>
    %dot_general3A = arith.constant dense<0.000000e+00> : vector<1x1xf32>
    %dot_general3A_6 = tpu.matmul %broadcast_in_dim3A, %get3A_5, %dot_general3A {dimension_numbers = #tpu.dot_dimension_numbers<[1], [0], [0], [1], [0, 0, 1, 1], [], []>, transpose_lhs_hint = false} : vector<1x4096xf32>, vector<4096x1xf32>, vector<1x1xf32> -> vector<1x1xf32>
    %get3A_7 = arith.constant 0 : index
    %get3A_8 = arith.constant 0 : index
    %get3A_9 = vector.load %arg2[%get3A_7, %get3A_8] : memref<32x16xf32, #tpu.memory_space<vmem>>, vector<32x16xf32>
    %reduce_sum3A_10 = vector.shape_cast %get3A_9 : vector<32x16xf32> to vector<1x32x16xf32>
    %reduce_sum3A_11 = arith.constant dense<0.000000e+00> : vector<1xf32>
    %reduce_sum3A_12 = vector.multi_reduction <add>, %reduce_sum3A_10, %reduce_sum3A_11 [1, 2] : vector<1x32x16xf32> to vector<1xf32>
    %reduce_sum3A_13 = vector.shape_cast %reduce_sum3A_12 : vector<1xf32> to vector<1x1x1xf32>
    %reduce_sum3A_14 = vector.extract %reduce_sum3A_13[0, 0, 0] : f32 from vector<1x1x1xf32>
    %sub3A = vector.broadcast %reduce_sum3A_14 : f32 to vector<1x1xf32>
    %sub3A_15 = arith.subf %dot_general3A_6, %sub3A : vector<1x1xf32>
    %div3A = arith.constant 1.638400e+04 : f32
    %div3A_16 = vector.broadcast %div3A : f32 to vector<1x1xf32>
    %div3A_17 = arith.divf %sub3A_15, %div3A_16 : vector<1x1xf32>
    %swap3A = arith.constant 0 : index
    %swap3A_18 = arith.constant 0 : index
    %swap3A_19 = vector.load %arg3[%swap3A, %swap3A_18] : memref<1x1xf32, #tpu.memory_space<vmem>>, vector<1x1xf32>
    tpu.vector_store %arg3[%swap3A, %swap3A_18], %div3A_17 {strides = array<i32>} : memref<1x1xf32, #tpu.memory_space<vmem>>, vector<1x1xf32>,
    return
  }
}

</mosaic_0001>

<sc_bundles>
// kernel: kernel.5.cloned.1.call-start
scs
__scs_entry_jumppad:
0x0: {  	(pc) =	sbr.rel $0x88, $3  }
0x1: {  	(tag) =	ssettag $0x0;
	lr =	simm.s32 $0x1  }
0x2: {  	[smem:$0x3F9E] =	sst lr;
	_ =	strace $0xD0000000  }
0x3: {  	_ = 	snop  }
0x4: {  	_ = 	snop  }
0x5: {  	_ = 	snop  }
0x6: {  	_ = 	snop  }
0x7: {  	_ = 	snop  }
__scs_overlays_trampoline_lowered:
0x8: {  	[smem:$0x3FAD] =	sst s0  }
0x9: {  	[smem:$0x3FAE] =	sst s1  }
0xa: {  	[smem:$0x3FAF] =	sst s2  }
0xb: {  	[smem:$0x3FB0] =	sst s3  }
0xc: {  	[smem:$0x3FB1] =	sst s4  }
0xd: {  	[smem:$0x3FB2] =	sst s5  }
0xe: {  	[smem:$0x3FB3] =	sst s6  }
0xf: {  	[smem:$0x3FB4] =	sst s7  }
0x10: {  	[smem:$0x3FB5] =	sst s8  }
0x11: {  	[smem:$0x3FB6] =	sst s9;
	s0 =	simm.s32 @!p0 $0x0  }
0x12: {  	s1 =	sld [smem:$0x3F9C];
	s0 =	simm.s32 @p0 $0x1  }
0x13: {  	[smem:$0x3FB7] =	sst s0;
	s0 =	simm.s32 @!p1 $0x0  }
0x14: {  	s2 =	sld [smem:$0x3F9B];
	s0 =	simm.s32 @p1 $0x1  }
0x15: {  	[smem:$0x3FB8] =	sst s0;
	s0 =	simm.s32 @!p2 $0x0  }
0x16: {  	s3 =	sld [smem:$0x3FDB];
	s0 =	simm.s32 @p2 $0x1  }
0x17: {  	s4 =	simm.s32 $0x1BF5;
	[smem:$0x3FBA] =	sst s0  }
0x18: {  	s0 =	sld [smem:$0x3F9D];
	_ =	swait.ge [sflag:s4], $0x0  }
0x19: {  	s7 =	sld [smem:$0x3F9E]  }
0x1a: {  	s8 =	sadd.s32 $0xFFFFE003, lr  }
0x1b: {  	s9 =	sadd.s32 $0xFFFFFEF7, lr;
	s5 =	simm.s32 $0xFFFFFFFF;
	p2 =	slt.u32 s8, $0xFFFFF086  }
0x1c: {  	p1 =	slt.u32 s9, $0xF7A;
	s5 =	simm.s32 @!p2 $0x0  }
0x1d: {  	s5 =	simm.s32 @p1 $0x1;
	p0 =	seq.s32 s7, s2  }
0x1e: {  	s7 =	smul.u32 @!p0 $0xF7A, s2;
	p2 =	seq.s32 @!p0 s5, $0x0  }
0x1f: {  	s9 =	smul.u32 $0xF7A, s1;
	s8 =	simm.s32 @!p0 $0x1BF5;
	p2 =	por !p2, p0  }
0x20: {  	[sflag:s8] =	ssyncset.s32 @!p0 $0xFFFFF086;
	s6 =	sadd.s32 @!p0 s3, s7;
	s7 =	simm.s32 @!p0 $0x108  }
0x21: {  	s3 =	sadd.s32 s3, s9;
	s6 =	sadd.s32 @!p0 $0x88, s6;
	s7 =	simm.s32 @p2 $0x1082  }
0x22: {  	[simem:s7], [sflag:s8] =	dma.local @!p0 [hbm:s6], $0xF7A  }
0x23: {  	s9 =	sor.u32 $0xD0000000, s2;
	s6 =	simm.s32 $0x108;
	_ =	swait.ge @!p0 [sflag:s8], $0x0  }
0x24: {  	s3 =	sadd.s32 $0x88, s3;
	s6 =	simm.s32 @!p1 $0x1082;
	[sflag:s4] =	ssyncset.s32 $0xFFFFF086  }
0x25: {  	[simem:s6], [sflag:s4] =	dma.local [hbm:s3], $0xF7A  }
0x26: {  	[smem:$0x3F9E] =	sst s1;
	(tag) =	ssettag s2;
	_ =	strace s9  }
0x27: {  	s1 =	sld [smem:$0x3FAE]  }
0x28: {  	s2 =	sld [smem:$0x3FAF]  }
0x29: {  	s4 =	sld [smem:$0x3FB1]  }
0x2a: {  	p0 =	seq.s32 s5, $0x0;
	s5 =	sld [smem:$0x3FB2]  }
0x2b: {  	s6 =	sld [smem:$0x3FB3]  }
0x2c: {  	s7 =	sld [smem:$0x3FB4]  }
0x2d: {  	s3 =	simm.s32 $0x108;
	s8 =	sld [smem:$0x3FB5]  }
0x2e: {  	s3 =	simm.s32 @!p0 $0x1082;
	s9 =	sld [smem:$0x3FB6]  }
0x2f: {  	lr =	sadd.s32 s0, s3;
	s0 =	sld [smem:$0x3FAD]  }
0x30: {  	s3 =	sld [smem:$0x3FB0]  }
0x31: {  	[smem:$0x3FB9] =	sst s10  }
0x32: {  	s10 =	sld [smem:$0x3FB7];
	_ =	sdelay $0x3  }
0x33: {  	p0 =	seq.s32 s10, $0x1;
	s10 =	sld [smem:$0x3FB9];
	_ =	sdelay $0x3  }
0x34: {  	[smem:$0x3FB9] =	sst s10  }
0x35: {  	s10 =	sld [smem:$0x3FB8];
	_ =	sdelay $0x3  }
0x36: {  	p1 =	seq.s32 s10, $0x1;
	s10 =	sld [smem:$0x3FB9];
	_ =	sdelay $0x3  }
0x37: {  	[smem:$0x3FB9] =	sst s10  }
0x38: {  	s10 =	sld [smem:$0x3FBA]  }
0x39: {  	_ = 	snop;
	(pc) =	sbr.ind lr, $3  }
0x3a: {  	_ = 	snop  }
0x3b: {  	_ = 	snop  }
0x3c: {  	p2 =	seq.s32 s10, $0x1;
	s10 =	sld [smem:$0x3FB9]  }
0x3d: {  	_ =	shalt  }
0x3e: {  	_ =	shalt  }
0x3f: {  	_ =	shalt  }
0x40: {  	_ =	shalt  }
0x41: {  	_ =	shalt  }
0x42: {  	_ =	shalt  }
0x43: {  	_ =	shalt  }
0x44: {  	_ =	shalt  }
0x45: {  	_ =	shalt  }
0x46: {  	_ =	shalt  }
0x47: {  	_ =	shalt  }
0x48: {  	_ =	shalt  }
0x49: {  	_ =	shalt  }
0x4a: {  	_ =	shalt  }
0x4b: {  	_ =	shalt  }
0x4c: {  	_ =	shalt  }
0x4d: {  	_ =	shalt  }
0x4e: {  	_ =	shalt  }
0x4f: {  	_ =	shalt  }
0x50: {  	_ =	shalt  }
0x51: {  	_ =	shalt  }
0x52: {  	_ =	shalt  }
0x53: {  	_ =	shalt  }
0x54: {  	_ =	shalt  }
0x55: {  	_ =	shalt  }
0x56: {  	_ =	shalt  }
0x57: {  	_ =	shalt  }
0x58: {  	_ =	shalt  }
0x59: {  	_ =	shalt  }
0x5a: {  	_ =	shalt  }
0x5b: {  	_ =	shalt  }
0x5c: {  	_ =	shalt  }
0x5d: {  	_ =	shalt  }
0x5e: {  	_ =	shalt  }
0x5f: {  	_ =	shalt  }
0x60: {  	_ =	shalt  }
0x61: {  	_ =	shalt  }
0x62: {  	_ =	shalt  }
0x63: {  	_ =	shalt  }
0x64: {  	_ =	shalt  }
0x65: {  	_ =	shalt  }
0x66: {  	_ =	shalt  }
0x67: {  	_ =	shalt  }
0x68: {  	_ =	shalt  }
0x69: {  	_ =	shalt  }
0x6a: {  	_ =	shalt  }
0x6b: {  	_ =	shalt  }
0x6c: {  	_ =	shalt  }
0x6d: {  	_ =	shalt  }
0x6e: {  	_ =	shalt  }
0x6f: {  	_ =	shalt  }
0x70: {  	_ =	shalt  }
0x71: {  	_ =	shalt  }
0x72: {  	_ =	shalt  }
0x73: {  	_ =	shalt  }
0x74: {  	_ =	shalt  }
0x75: {  	_ =	shalt  }
0x76: {  	_ =	shalt  }
0x77: {  	_ =	shalt  }
0x78: {  	_ =	shalt  }
0x79: {  	_ =	shalt  }
0x7a: {  	_ =	shalt  }
0x7b: {  	_ =	shalt  }
0x7c: {  	_ =	shalt  }
0x7d: {  	_ =	shalt  }
0x7e: {  	_ =	shalt  }
0x7f: {  	_ =	shalt  }
0x80: {  	_ =	shalt  }
0x81: {  	_ =	shalt  }
0x82: {  	_ =	shalt  }
0x83: {  	_ =	shalt  }
0x84: {  	_ =	shalt  }
0x85: {  	_ =	shalt  }
0x86: {  	_ =	shalt  }
0x87: {  	_ =	shalt  }
.Lfunc_end0:
.L_simem_size_0:
called_computation_lowered:
.L_overlay_start_0:
0x88: {  	s2 =	sld [smem:$0x3FD9]  }
0x89: {  	s3 =	sld [smem:$0x3FFE];
	_ =	sdelay $0x1  }
0x8a: {  	s1 =	srdreg.scid  }
0x8b: {  	s0 =	sand.u32 $0x1, s1  }
0x8c: {  	s14 =	sshll.u32 s0, $0xA;
	s2 =	sadd.s32 s3, s2  }
0x8d: {  	s2 =	sadd.s32 s2, s14  }
0x8e: {  	[smem:$0x3FC5] =	sst s2  }
0x8f: {  	_ = 	snop  }
0x90: {  	s2 =	sld [smem:$0x3FD0];
	_ =	sdelay $0x2  }
0x91: {  	s4 =	simm.s32 $0xA;
	s5 =	simm.s32 $0x10;
	s15 =	sld [smem:$0x3FC7]  }
0x92: {  	[smem:s5], [sflag:s4] =	dma.local [hbm:s2], $0x1  }
0x93: {  	_ =	swait.eq [sflag:s4], $0x1  }
0x94: {  	[sflag:s4] =	ssyncset.done $0x0  }
0x95: {  	[sflag:s4] =	ssyncadd.s32 $0xFFFFFFFF  }
0x96: {  	s16 =	sld [smem:$0x10];
	(tm) =	ssettm $0x1  }
0x97: {  	s17 =	sld [smem:$0x3FFB];
	_ =	sdelay $0x3  }
0x98: {  	_ =	strace s17  }
0x99: {  	s4 =	sld [smem:$0x3FFC];
	_ =	sdelay $0x3  }
0x9a: {  	_ =	strace s4  }
0x9b: {  	s4 =	sld [smem:$0x3FFD];
	_ =	sdelay $0x3  }
0x9c: {  	_ =	strace s4  }
0x9d: {  	_ =	strace $0x8FFFFFFF  }
0x9e: {  	s18 =	sld [smem:$0x3FDB];
	_ =	sdelay $0x1  }
0x9f: {  	s19 =	simm.s32 $_scs_section_size  }
0xa0: {  	s6 =	simm.s32 $_size__tile_overlayer_lowered;
	s7 =	simm.s32 $_tile_overlayer_lowered  }
0xa1: {  	s22 =	simm.s32 $0x1BFF;
	s21 =	sshll.u32 s7, $0x1;
	s4 =	sadd.s32 s19, s18  }
0xa2: {  	s8 =	simm.s32 $0x0;
	s20 =	sshll.u32 s6, $0x1;
	s6 =	sadd.s32 s21, s4  }
0xa3: {  	[timem:s8], [sflag:s22] =	dma.local [hbm:s6], s20  }
0xa4: {  	_ =	swait.ge [sflag:s22], s20  }
0xa5: {  	s5 =	ssub.s32 $0x0, s20;
	[sflag:s22] =	ssyncset.done $0x0  }
0xa6: {  	[sflag:s22] =	ssyncadd.s32 s5;
	_ =	sdelay $0x1  }
0xa7: {  	s23 =	simm.s32 $0x1B8B  }
0xa8: {  	_ =	swait.ge [sflag:s23], $0x1  }
0xa9: {  	[sflag:s23] =	ssyncset.done $0x0  }
0xaa: {  	s25 =	simm.s32 $0x1B8E;
	s24 =	sld [smem:$0x3FFE];
	[sflag:s23] =	ssyncadd.s32 $0xFFFFFFFF  }
0xab: {  	s26 =	simm.s32 $execute0_lowered;
	[smem:$0x3FD2] =	sst s25  }
0xac: {  	s6 =	sshll.u32 s26, $0x1;
	_ =	strace $0x80000046;
	[dreg:$0x1] =	wrdreg $0xFFFFFFFF  }
0xad: {  	s28 =	simm.s32 $_size_execute0_lowered;
	s4 =	sadd.s32 s4, s6;
	[dreg:$0x0] =	wrdreg $0x0  }
0xae: {  	s6 =	sshll.u32 s28, $0x1;
	[dreg:$0x2] =	wrdreg s4  }
0xaf: {  	[dreg:$0x3] =	wrdreg s6  }
0xb0: {  	[dreg:$0x4] =	wrdreg $0xC0  }
0xb1: {  	_ =	task [dreg:s8], $0x5FFFF  }
0xb2: {  	[dreg:$0x1] =	wrdreg $0xFFFFFFFF  }
0xb3: {  	[dreg:$0x0] =	wrdreg $0x60  }
0xb4: {  	[dreg:$0x2] =	wrdreg s15  }
0xb5: {  	[dreg:$0x3] =	wrdreg s24  }
0xb6: {  	[dreg:$0x4] =	wrdreg s16  }
0xb7: {  	[dreg:$0x5] =	wrdreg $0x147800  }
0xb8: {  	[dreg:$0x6] =	wrdreg $0x148800  }
0xb9: {  	[dreg:$0x7] =	wrdreg $0x9  }
0xba: {  	_ =	task.clear_ibuf [dreg:s8], $0x8FFFF;
	_ =	strace $0x90000046  }
0xbb: {  	s29 =	simm.s32 $0x9;
	_ =	strace $0x80000048  }
0xbc: {  	_ =	swait.ge [sflag:s29], $0x1  }
0xbd: {  	[sflag:s29] =	ssyncadd.s32 $0xFFFFFFFF  }
0xbe: {  	_ =	strace $0x90000048  }
0xbf: {  	_ =	sfence  }
0xc0: {  	s30 =	sld [smem:$0x0];
	_ =	sdelay $0x2  }
0xc1: {  	s31 =	sshll.u32 s1, $0xD;
	s1 =	sshrl.u32 s1, $0x2  }
0xc2: {  	s3 =	sand.u32 $0x4000, s31;
	s1 =	sadd.s32 s1, s30  }
0xc3: {  	s0 =	sor.u32 s3, s0;
	s1 =	sshll.u32 s1, $0x11  }
0xc4: {  	s0 =	sor.u32 s1, s0  }
0xc5: {  	s0 =	sadd.s32 $0x8F2B, s0  }
0xc6: {  	[sflag:s0] =	ssyncadd.remote.s32 $0x1  }
0xc7: {  	_ =	sfence.sel $0xFFFF  }
0xc8: {  	[dreg:$0x0] =	wrdreg $0xFFFFFFFF;
	(pc) =	sbr.abs _section_cstart, $3  }
0xc9: {  	[dreg:$0x1] =	wrdreg $0xFFFFFFFF  }
0xca: {  	_ =	task.clear_ibuf [dreg:s8], $0x2FFFF;
	_ =	strace $0x9FFFFFFF  }
0xcb: {  	(tm) =	ssettm $0x7FFFFFFF  }
tec
execute0_lowered:
.L_overlay_start_1:
0x0: {  	(tag) =	ssettag $0x1  }
0x1: {  	s12 =	rddreg [dreg:$0x0]  }
0x2: {  	s0 =	rddreg [dreg:$0x1]  }
0x3: {  	s1 =	rddreg [dreg:$0x2]  }
0x4: {  	s10 =	rddreg [dreg:$0x3];
	s2 =	srdreg.scid  }
0x5: {  	s11 =	stileid.u32;
	s3 =	rddreg [dreg:$0x4];
	s4 =	simm.s32 $0x0  }
0x6: {  	s14 =	simm.s32 $0xE700;
	s16 =	simm.s32 $0xEF00;
	s18 =	simm.s32 $0xF700  }
0x7: {  	s19 =	simm.s32 $0xFF00;
	[smem:$0x7FF] =	sst s4;
	s26 =	sadd.s32 $0x200, s12  }
0x8: {  	s30 =	sadd.s32 $0x400, s12;
	_ =	strace $0x80000047;
	[smem:$0x7F7] =	sst s26  }
0x9: {  	s20 =	simm.s32 $0x10F00;
	s22 =	simm.s32 $0x11700;
	[smem:$0x7F8] =	sst s30  }
0xa: {  	s2 =	sand.u32 $0x1, s2;
	s5 =	sshll.u32 s11, $0x1;
	[dreg:$0xa] =	wrdreg s14  }
0xb: {  	s28 =	sshll.u32 s11, $0x13;
	s4 =	sadd.s32 $0x800, s12;
	[dreg:$0xb] =	wrdreg s16  }
0xc: {  	s13 =	sshll.u32 s11, $0x8;
	s5 =	sor.u32 s2, s5;
	[dreg:$0xc] =	wrdreg s18  }
0xd: {  	s8 =	sshll.u32 s2, $0x4;
	s9 =	ssub.s32 $0x2, s2;
	[dreg:$0xd] =	wrdreg s19  }
0xe: {  	s1 =	sadd.s32 s28, s1;
	s2 =	sshll.u32 s2, $0x12;
	[dreg:$0xe] =	wrdreg s20  }
0xf: {  	[dreg:$0xf] =	wrdreg s22;
	s26 =	simm.s32 $0x12F00;
	s28 =	simm.s32 $0x13700  }
0x10: {  	s30 =	simm.s32 $0x13F00;
	[dreg:$0x1e] =	wrdreg s4;
	s6 =	sshll.u32 s5, $0xB  }
0x11: {  	s7 =	sshll.u32 s5, $0x6;
	s5 =	sshll.u32 s5, $0x4;
	[dreg:$0x12] =	wrdreg s26  }
0x12: {  	s23 =	sshrl.u32 s9, $0x1;
	s1 =	sadd.s32 s2, s1;
	[dreg:$0x13] =	wrdreg s28  }
0x13: {  	s2 =	sadd.s32 s13, s10;
	[dreg:$0x14] =	wrdreg s30;
	s6 =	sadd.s32 s6, s0  }
0x14: {  	s7 =	sadd.s32 s7, s0;
	s5 =	sadd.s32 s5, s0;
	[dreg:$0x6] =	wrdreg s1  }
0x15: {  	s0 =	sadd.s32 s8, s0;
	s8 =	simm.s32 $0xCF00;
	[dreg:$0x18] =	wrdreg s2  }
0x16: {  	s15 =	ssub.s32 s9, s23;
	s9 =	simm.s32 $0xD700;
	[dreg:$0x7] =	wrdreg s8  }
0x17: {  	s23 =	simm.s32 $0x11F00;
	[dreg:$0x8] =	wrdreg s9  }
0x18: {  	s24 =	sadd.s32 $0x10C00, s7;
	[dreg:$0x10] =	wrdreg s23  }
0x19: {  	s6 =	sadd.s32 $0xC00, s6;
	[dreg:$0x15] =	wrdreg s24  }
0x1a: {  	s17 =	sshll.u32 s11, $0xF;
	s25 =	sadd.s32 $0x11400, s7;
	[dreg:$0x16] =	wrdreg s6  }
0x1b: {  	s2 =	sadd.s32 s17, s3;
	s7 =	sadd.s32 $0x600, s12;
	[dreg:$0x17] =	wrdreg s25  }
0x1c: {  	s9 =	smov.u32 s2;
	s2 =	sadd.s32 $0x4000, s2;
	[smem:$0x7F9] =	sst s7  }
0x1d: {  	s29 =	simm.s32 $0x40;
	s21 =	sadd.s32 $0x12000, s5;
	[smem:$0x7FA] =	sst s2  }
0x1e: {  	s31 =	simm.s32 $0x2;
	s0 =	sadd.s32 $0x11C00, s0;
	[dreg:$0x19] =	wrdreg s21  }
0x1f: {  	p0 =	sne.s32 s11, $0x0;
	s8 =	sadd.s32 $0xE00, s12;
	[dreg:$0x1a] =	wrdreg s0  }
0x20: {  	s16 =	simm.s32 $0x4700;
	s6 =	sadd.s32 $0xA00, s12;
	[smem:$0x7FC] =	sst s8  }
0x21: {  	s7 =	sadd.s32 $0xC00, s12;
	s12 =	simm.s32 $0xDF00;
	[smem:$0x7FD] =	sst s9  }
0x22: {  	s18 =	simm.s32 $0x8700;
	s24 =	smax.u32 s15, $0x1;
	[dreg:$0x9] =	wrdreg s12  }
0x23: {  	s19 =	simm.s32 $0x1;
	s25 =	simm.s32 $0x12700;
	[dreg:$0x1b] =	wrdreg s24  }
0x24: {  	v0 =	vlaneseq.u32;
	s22 =	simm.s32 $0xC700;
	s26 =	simm.s32 $0x80;
	[dreg:$0x11] =	wrdreg s25  }
0x25: {  	vm0 =	vmmov $0xffff;
	v2 =	vshrl.u32 v0, $0x2;
	s15 =	simm.s32 $0xC;
	s2 =	simm.s32 $0x0;
	[dreg:$0x1f] =	wrdreg s6  }
0x26: {  	v3 =	vimm.f32 $1.000000000e+00;
	v1 =	vand.u32 $0x3, v0;
	v2 =	vmul.u32 $0x8, v2;
	s24 =	simm.s32 $0x5;
	s25 =	simm.s32 $0x4;
	[smem:$0x7FB] =	sst s7  }
.LBB2_1:
0x27: {  	[dreg:$0x1c] =	wrdreg s2  }
0x28: {  	s0 =	rddreg [dreg:$0x15];
	s1 =	simm.s32 $0x0  }
0x29: {  	[tilespmem:s1], [sflag:$0xC] =	stream.linear.gather [hbm4b:s0+s1], $0x200, $0x38;
	[tilespmem:$0x1C880] =	vst v63  }
0x2a: {  	_ =	swait.ge [sflag:s15], $0x200  }
0x2b: {  	[sflag:s15] =	ssyncset.done $0x0  }
0x2c: {  	s2 =	simm.s32 $0x200;
	s12 =	rddreg [dreg:$0x16];
	[sflag:s15] =	ssyncadd.s32 $0xFFFFFE00  }
0x2d: {  	[tilespmem:s2], [sflag:$0xC] =	stream.linear.gather [hbm4b:s12+s1], $0x4000, $0x38;
	[tilespmem:$0x1C880] =	vst v63  }
0x2e: {  	_ =	swait.ge [sflag:s15], $0x4000  }
0x2f: {  	[sflag:s15] =	ssyncset.done $0x0  }
0x30: {  	s5 =	simm.s32 $0x4200;
	s13 =	rddreg [dreg:$0x17];
	[sflag:s15] =	ssyncadd.s32 $0xFFFFC000  }
0x31: {  	[tilespmem:s5], [sflag:$0xC] =	stream.linear.gather [hbm4b:s13+s1], $0x200, $0x38;
	[tilespmem:$0x1C880] =	vst v63  }
0x32: {  	_ =	swait.ge [sflag:s15], $0x200  }
0x33: {  	[sflag:s15] =	ssyncset.done $0x0  }
0x34: {  	[sflag:s15] =	ssyncadd.s32 $0xFFFFFE00  }
0x35: {  	v4 =	vld.msk [tilespmem:$0x200], $0xf;
	_ =	sdelay $0x4  }
0x36: {  	v5 =	vshll.u32 v4, $0x5  }
0x37: {  	v4 =	vand.u32 $0x7, v4;
	v5 =	vand.u32 $0xFFFFFF00, v5  }
0x38: {  	v4 =	vor.u32 v4, v5  }
0x39: {  	v4 =	vperm.xlane v4, v1;
	_ =	sdelay $0x1  }
0x3a: {  	v4 =	vadd.s32 v2, v4;
	_ =	sdelay $0x2  }
0x3b: {  	s12 =	sld [smem:$0x7F7]  }
0x3c: {  	s3 =	rddreg [dreg:$0x0]  }
0x3d: {  	[tilespmem:s16], [sflag:$0x1] =	stream.indirect_vreg.gather [hbm4b:s3+s1], $0x80, v4, vm0, $0xb8;
	[tilespmem:$0x1C880] =	vst v63  }
0x3e: {  	s14 =	simm.s32 $0x4F00;
	s13 =	sld [smem:$0x7F8]  }
0x3f: {  	[tilespmem:s14], [sflag:$0x1] =	stream.indirect_vreg.gather [hbm4b:s12+s1], $0x80, v4, vm0, $0xb8;
	[tilespmem:$0x1C880] =	vst v63  }
0x40: {  	s17 =	simm.s32 $0x5700;
	s14 =	sld [smem:$0x7F9]  }
0x41: {  	[tilespmem:s17], [sflag:$0x1] =	stream.indirect_vreg.gather [hbm4b:s13+s1], $0x80, v4, vm0, $0xb8;
	[tilespmem:$0x1C880] =	vst v63  }
0x42: {  	s20 =	simm.s32 $0x5F00  }
0x43: {  	[tilespmem:s20], [sflag:$0x1] =	stream.indirect_vreg.gather [hbm4b:s14+s1], $0x80, v4, vm0, $0xb8;
	[tilespmem:$0x1C880] =	vst v63  }
0x44: {  	s21 =	simm.s32 $0x6700  }
0x45: {  	[tilespmem:s21], [sflag:$0x1] =	stream.indirect_vreg.gather [hbm4b:s4+s1], $0x80, v4, vm0, $0xb8;
	[tilespmem:$0x1C880] =	vst v63  }
0x46: {  	s23 =	simm.s32 $0x6F00  }
0x47: {  	[tilespmem:s23], [sflag:$0x1] =	stream.indirect_vreg.gather [hbm4b:s6+s1], $0x80, v4, vm0, $0xb8;
	[tilespmem:$0x1C880] =	vst v63  }
0x48: {  	s28 =	simm.s32 $0x7700  }
0x49: {  	[tilespmem:s28], [sflag:$0x1] =	stream.indirect_vreg.gather [hbm4b:s7+s1], $0x80, v4, vm0, $0xb8;
	[tilespmem:$0x1C880] =	vst v63  }
0x4a: {  	s30 =	simm.s32 $0x7F00  }
0x4b: {  	[tilespmem:s30], [sflag:$0x1] =	stream.indirect_vreg.gather [hbm4b:s8+s1], $0x80, v4, vm0, $0xb8;
	[tilespmem:$0x1C880] =	vst v63  }
0x4c: {  	v4 =	vld.msk [tilespmem:$0x280], $0xf;
	_ =	sdelay $0x4  }
0x4d: {  	v5 =	vshll.u32 v4, $0x5  }
0x4e: {  	v4 =	vand.u32 $0x7, v4;
	v5 =	vand.u32 $0xFFFFFF00, v5  }
0x4f: {  	v4 =	vor.u32 v4, v5  }
0x50: {  	v4 =	vperm.xlane v4, v1;
	_ =	sdelay $0x1  }
0x51: {  	v4 =	vadd.s32 v2, v4;
	_ =	sdelay $0x4  }
0x52: {  	[tilespmem:s18], [sflag:$0x2] =	stream.indirect_vreg.gather [hbm4b:s3+s1], $0x80, v4, vm0, $0xb8;
	[tilespmem:$0x1C880] =	vst v63  }
0x53: {  	s3 =	simm.s32 $0x8F00  }
0x54: {  	[tilespmem:s3], [sflag:$0x2] =	stream.indirect_vreg.gather [hbm4b:s12+s1], $0x80, v4, vm0, $0xb8;
	[tilespmem:$0x1C880] =	vst v63  }
0x55: {  	s12 =	simm.s32 $0x9700  }
0x56: {  	[tilespmem:s12], [sflag:$0x2] =	stream.indirect_vreg.gather [hbm4b:s13+s1], $0x80, v4, vm0, $0xb8;
	[tilespmem:$0x1C880] =	vst v63  }
0x57: {  	s13 =	simm.s32 $0x9F00  }
0x58: {  	[tilespmem:s13], [sflag:$0x2] =	stream.indirect_vreg.gather [hbm4b:s14+s1], $0x80, v4, vm0, $0xb8;
	[tilespmem:$0x1C880] =	vst v63  }
0x59: {  	s14 =	simm.s32 $0xA700  }
0x5a: {  	[tilespmem:s14], [sflag:$0x2] =	stream.indirect_vreg.gather [hbm4b:s4+s1], $0x80, v4, vm0, $0xb8;
	[tilespmem:$0x1C880] =	vst v63  }
0x5b: {  	s17 =	simm.s32 $0xAF00  }
0x5c: {  	[tilespmem:s17], [sflag:$0x2] =	stream.indirect_vreg.gather [hbm4b:s6+s1], $0x80, v4, vm0, $0xb8;
	[tilespmem:$0x1C880] =	vst v63  }
0x5d: {  	s20 =	simm.s32 $0xB700  }
0x5e: {  	[tilespmem:s20], [sflag:$0x2] =	stream.indirect_vreg.gather [hbm4b:s7+s1], $0x80, v4, vm0, $0xb8;
	[tilespmem:$0x1C880] =	vst v63  }
0x5f: {  	s21 =	simm.s32 $0xBF00  }
0x60: {  	[tilespmem:s21], [sflag:$0x2] =	stream.indirect_vreg.gather [hbm4b:s8+s1], $0x80, v4, vm0, $0xb8;
	[tilespmem:$0x1C880] =	vst v63  }
0x61: {  	[tilespmem:$0x4400] =	vst v3  }
0x62: {  	[tilespmem:$0x4410] =	vst v3  }
0x63: {  	[tilespmem:$0x4420] =	vst v3  }
0x64: {  	[tilespmem:$0x4430] =	vst v3  }
0x65: {  	[tilespmem:$0x4440] =	vst v3  }
0x66: {  	[tilespmem:$0x4450] =	vst v3  }
0x67: {  	[tilespmem:$0x4460] =	vst v3  }
0x68: {  	[tilespmem:$0x4470] =	vst v3  }
0x69: {  	[tilespmem:$0x4480] =	vst v3  }
0x6a: {  	[tilespmem:$0x4490] =	vst v3  }
0x6b: {  	[tilespmem:$0x44A0] =	vst v3  }
0x6c: {  	[tilespmem:$0x44B0] =	vst v3  }
0x6d: {  	[tilespmem:$0x44C0] =	vst v3  }
0x6e: {  	[tilespmem:$0x44D0] =	vst v3  }
0x6f: {  	[tilespmem:$0x44E0] =	vst v3  }
0x70: {  	[tilespmem:$0x44F0] =	vst v3  }
0x71: {  	[tilespmem:$0x4500] =	vst v3  }
0x72: {  	[tilespmem:$0x4510] =	vst v3  }
0x73: {  	[tilespmem:$0x4520] =	vst v3  }
0x74: {  	[tilespmem:$0x4530] =	vst v3  }
0x75: {  	[tilespmem:$0x4540] =	vst v3  }
0x76: {  	[tilespmem:$0x4550] =	vst v3  }
0x77: {  	[tilespmem:$0x4560] =	vst v3  }
0x78: {  	[tilespmem:$0x4570] =	vst v3  }
0x79: {  	[tilespmem:$0x4580] =	vst v3  }
0x7a: {  	[tilespmem:$0x4590] =	vst v3  }
0x7b: {  	[tilespmem:$0x45A0] =	vst v3  }
0x7c: {  	[tilespmem:$0x45B0] =	vst v3  }
0x7d: {  	[tilespmem:$0x45C0] =	vst v3  }
0x7e: {  	[tilespmem:$0x45D0] =	vst v3  }
0x7f: {  	[tilespmem:$0x45E0] =	vst v3  }
0x80: {  	v4 =	vimm.f32 $0.0e+00;
	[tilespmem:$0x45F0] =	vst v3  }
0x81: {  	[tilespmem:$0x4600] =	vst v4  }
0x82: {  	[tilespmem:$0x4610] =	vst v4  }
0x83: {  	[tilespmem:$0x4620] =	vst v4  }
0x84: {  	[tilespmem:$0x4630] =	vst v4  }
0x85: {  	[tilespmem:$0x4640] =	vst v4  }
0x86: {  	[tilespmem:$0x4650] =	vst v4  }
0x87: {  	[tilespmem:$0x4660] =	vst v4  }
0x88: {  	[tilespmem:$0x4670] =	vst v4  }
0x89: {  	[tilespmem:$0x4680] =	vst v4  }
0x8a: {  	[tilespmem:$0x4690] =	vst v4  }
0x8b: {  	[tilespmem:$0x46A0] =	vst v4  }
0x8c: {  	[tilespmem:$0x46B0] =	vst v4  }
0x8d: {  	[tilespmem:$0x46C0] =	vst v4  }
0x8e: {  	[tilespmem:$0x46D0] =	vst v4  }
0x8f: {  	[tilespmem:$0x46E0] =	vst v4  }
0x90: {  	s23 =	rddreg [dreg:$0x18];
	s28 =	simm.s32 $0x4600;
	[tilespmem:$0x46F0] =	vst v4  }
0x91: {  	[spmem:s23] =	stream.linear.scatter [tilespmem:s28], [sflag:$0xC], $0x100, $0x38;
	[tilespmem:$0x1C880] =	vst v63  }
0x92: {  	_ =	swait.ge [sflag:s15], $0x100  }
0x93: {  	[sflag:s15] =	ssyncset.done $0x0  }
0x94: {  	s30 =	simm.s32 $0x4400;
	[sflag:s15] =	ssyncadd.s32 $0xFFFFFF00  }
0x95: {  	s20 =	simm.s32 $0x0;
	s21 =	simm.s32 $0x380;
	[bflag:$0x0] =	sbarrier.arrive $0xFFFF  }
0x96: {  	[spmem:s10] =	stream.indirect.scatter.add.f32 [tilespmem:s30], [sflag:$0xB], $0x1, s1, s2, $0xb8;
	[tilespmem:$0x1C880] =	vst v63  }
.LBB2_2:
0x97: {  	[dreg:$0x1d] =	wrdreg s5  }
0x98: {  	v5 =	vld [tilespmem:s5+$0x0];
	_ =	swait.ge [sflag:s19], $0x4000  }
0x99: {  	p1 =	seq.s32 s20, $0x0;
	[sflag:s19] =	ssyncset.done $0x0  }
0x9a: {  	s0 =	simm.s32 @!p1 $0x9;
	[sflag:s19] =	ssyncadd.s32 $0xFFFFC000  }
0x9b: {  	_ =	swait.ge @!p1 [sflag:s0], $0x800  }
0x9c: {  	[sflag:s0] =	ssyncset.done @!p1 $0x0  }
0x9d: {  	[sflag:s0] =	ssyncadd.s32 @!p1 $0xFFFFF800  }
0x9e: {  	[spmem:s9] =	stream.linear.scatter [tilespmem:s16], [sflag:$0x5], $0x4000, $0x38;
	[tilespmem:$0x1C880] =	vst v63  }
0x9f: {  	v6 =	vld.msk [tilespmem:s21+$0xFFFFFF80], $0xf;
	_ =	sdelay $0x2  }
0xa0: {  	(v2sf) =	vpush v5, $0x0  }
0xa1: {  	s6 =	rddreg [dreg:$0x7]  }
0xa2: {  	s1 =	rddreg [dreg:$0x8];
	v7 =	vshll.u32 v6, $0x5  }
0xa3: {  	s13 =	sld [smem:$0x7F7];
	v6 =	vand.u32 $0x7, v6;
	v7 =	vand.u32 $0xFFFFFF00, v7  }
0xa4: {  	s7 =	rddreg [dreg:$0x9];
	v6 =	vor.u32 v6, v7  }
0xa5: {  	s14 =	sld [smem:$0x7F8];
	v6 =	vperm.xlane v6, v1  }
0xa6: {  	s8 =	rddreg [dreg:$0xa];
	(v2sf) =	vpush v5, $0x1  }
0xa7: {  	s15 =	rddreg [dreg:$0xb];
	v6 =	vadd.s32 v2, v6  }
0xa8: {  	s2 =	rddreg [dreg:$0x1e]  }
0xa9: {  	s23 =	rddreg [dreg:$0x1f]  }
0xaa: {  	s28 =	rddreg [dreg:$0xd]  }
0xab: {  	s4 =	simm.s32 $0x0;
	s12 =	rddreg [dreg:$0x0]  }
0xac: {  	[tilespmem:s22], [sflag:$0x3] =	stream.indirect_vreg.gather [hbm4b:s12+s4], $0x80, v6, vm0, $0xb8;
	[tilespmem:$0x1C880] =	vst v63  }
0xad: {  	s17 =	sld [smem:$0x7FB]  }
0xae: {  	[tilespmem:s6], [sflag:$0x3] =	stream.indirect_vreg.gather [hbm4b:s13+s4], $0x80, v6, vm0, $0xb8;
	[tilespmem:$0x1C880] =	vst v63  }
0xaf: {  	s10 =	smov.u32 s9;
	s9 =	sld [smem:$0x7F9];
	s30 =	spop (v2sf)  }
0xb0: {  	[tilespmem:s1], [sflag:$0x3] =	stream.indirect_vreg.gather [hbm4b:s14+s4], $0x80, v6, vm0, $0xb8;
	[tilespmem:$0x1C880] =	vst v63  }
0xb1: {  	s19 =	smov.u32 s2;
	s16 =	rddreg [dreg:$0xc];
	(v2sf) =	vpush v5, $0x2;
	s1 =	sshra.s32 s30, $0x1F  }
0xb2: {  	[tilespmem:s7], [sflag:$0x3] =	stream.indirect_vreg.gather [hbm4b:s9+s4], $0x80, v6, vm0, $0xb8;
	[tilespmem:$0x1C880] =	vst v63  }
0xb3: {  	[smem:$0x7F4] =	sst s30;
	p2 =	slt.s32 s30, $0x1;
	s0 =	sshrl.u32 s1, $0x1C  }
0xb4: {  	(v2sf) =	vpush v5, $0x3;
	[tilespmem:s8], [sflag:$0x3] =	stream.indirect_vreg.gather [hbm4b:s2+s4], $0x80, v6, vm0, $0xb8;
	[tilespmem:$0x1C880] =	vst v63  }
0xb5: {  	s22 =	smov.u32 s23;
	s0 =	sadd.s32 s0, s30;
	s2 =	spop (v2sf)  }
0xb6: {  	s3 =	sand.u32 $0xFFFFFFF0, s0;
	s0 =	sshra.s32 s0, $0x4;
	s5 =	sshra.s32 s2, $0x1F  }
0xb7: {  	[tilespmem:s15], [sflag:$0x3] =	stream.indirect_vreg.gather [hbm4b:s23+s4], $0x80, v6, vm0, $0xb8;
	[tilespmem:$0x1C880] =	vst v63  }
0xb8: {  	s8 =	sld [smem:$0x7FC];
	p3 =	sne.s32 s30, s3;
	s1 =	sshrl.u32 s5, $0x1C  }
0xb9: {  	s3 =	simm.s32 $0x1;
	p2 =	por !p2, !p3;
	s1 =	sadd.s32 s1, s2  }
0xba: {  	[tilespmem:s16], [sflag:$0x3] =	stream.indirect_vreg.gather [hbm4b:s17+s4], $0x80, v6, vm0, $0xb8;
	[tilespmem:$0x1C880] =	vst v63  }
0xbb: {  	p5 =	slt.s32 s2, $0x1;
	p2 =	por !p2, !p2;
	s6 =	sand.u32 $0xFFFFFFF0, s1  }
0xbc: {  	s5 =	simm.s32 $0x1;
	s3 =	simm.s32 @!p2 $0x0;
	p6 =	sne.s32 s2, s6  }
0xbd: {  	[tilespmem:s28], [sflag:$0x3] =	stream.indirect_vreg.gather [hbm4b:s8+s4], $0x80, v6, vm0, $0xb8;
	[tilespmem:$0x1C880] =	vst v63  }
0xbe: {  	s0 =	ssub.s32 s0, s3;
	s1 =	sshra.s32 s1, $0x4;
	p2 =	por !p5, !p6  }
0xbf: {  	s7 =	sshll.u32 s0, $0x4;
	s0 =	sshll.u32 s0, $0x6;
	p2 =	por !p2, !p2  }
0xc0: {  	s15 =	sand.u32 $0x70, s7;
	s28 =	spop (v2sf);
	s5 =	simm.s32 @!p2 $0x0  }
0xc1: {  	s0 =	sand.u32 $0xFFFFFE00, s0;
	s16 =	sshra.s32 s28, $0x1F;
	s5 =	ssub.s32 s1, s5  }
0xc2: {  	s0 =	sor.u32 s15, s0;
	p3 =	slt.s32 s28, $0x1;
	s23 =	sshll.u32 s5, $0x4  }
0xc3: {  	s1 =	sshrl.u32 s16, $0x1C;
	s3 =	sand.u32 $0x70, s23;
	s23 =	spop (v2sf)  }
0xc4: {  	s6 =	sadd.s32 s1, s28;
	s5 =	sshll.u32 s5, $0x6;
	s15 =	sshra.s32 s23, $0x1F  }
0xc5: {  	s7 =	sand.u32 $0xFFFFFFF0, s6;
	s5 =	sand.u32 $0xFFFFFE00, s5;
	s30 =	sshrl.u32 s15, $0x1C  }
0xc6: {  	s6 =	sshra.s32 s6, $0x4;
	p4 =	sne.s32 s28, s7;
	s7 =	sadd.s32 s30, s23  }
0xc7: {  	p5 =	slt.s32 s23, $0x1;
	p2 =	por !p3, !p4;
	s1 =	sand.u32 $0xFFFFFFF0, s7  }
0xc8: {  	s15 =	simm.s32 $0x1;
	p2 =	por !p2, !p2;
	p6 =	sne.s32 s23, s1  }
0xc9: {  	s3 =	sor.u32 s3, s5;
	s15 =	simm.s32 @!p2 $0x0;
	p2 =	por !p5, !p6  }
0xca: {  	s5 =	ssub.s32 s6, s15;
	s6 =	simm.s32 $0x1;
	p2 =	por !p2, !p2  }
0xcb: {  	s7 =	sshra.s32 s7, $0x4;
	s15 =	sshll.u32 s5, $0x4;
	s6 =	simm.s32 @!p2 $0x0  }
0xcc: {  	s5 =	sshll.u32 s5, $0x6;
	s15 =	sand.u32 $0x70, s15;
	s6 =	ssub.s32 s7, s6  }
0xcd: {  	v9 =	vld [tilespmem:s0+$0x4700];
	s7 =	sand.u32 $0xFFFFFE00, s5;
	s16 =	sshll.u32 s6, $0x4;
	s6 =	sshll.u32 s6, $0x6  }
0xce: {  	v8 =	vld [tilespmem:s3+$0x4780];
	s0 =	sor.u32 s15, s7;
	s30 =	sand.u32 $0x70, s16;
	s1 =	sand.u32 $0xFFFFFE00, s6  }
0xcf: {  	v7 =	vld [tilespmem:s0+$0x4800];
	s5 =	sor.u32 s30, s1  }
0xd0: {  	s0 =	sshll.u32 s11, $0x6;
	v6 =	vld [tilespmem:s5+$0x4880];
	_ =	swait.ge [sflag:s24], $0x4000  }
0xd1: {  	s7 =	sor.u32 $0x1C09, s0;
	s6 =	rddreg [dreg:$0x6]  }
0xd2: {  	s11 =	sshrl.u32 s10, $0x3;
	[sflag:s24] =	ssyncset.done $0x0;
	[smem:$0x7F2] =	sst s7  }
0xd3: {  	[smem:$0x7F3] =	sst s11;
	[sflag:s24] =	ssyncadd.s32 $0xFFFFC000;
	s3 =	sadd.s32 s20, s6  }
0xd4: {  	[hbm:s3@s26], [sflag:s7] =	dma.strided [spmem:s11@s29], $0x800, s25, $0x10   }
0xd5: {  	_ =	swait.ge [sflag:s31], $0x4000  }
0xd6: {  	[sflag:s31] =	ssyncset.done $0x0  }
0xd7: {  	s5 =	simm.s32 @!p1 $0xA;
	[sflag:s31] =	ssyncadd.s32 $0xFFFFC000  }
0xd8: {  	_ =	swait.ge @!p1 [sflag:s5], $0x800  }
0xd9: {  	s30 =	sld [smem:$0x7FA]  }
0xda: {  	[sflag:s5] =	ssyncset.done @!p1 $0x0  }
0xdb: {  	[sflag:s5] =	ssyncadd.s32 @!p1 $0xFFFFF800  }
0xdc: {  	[spmem:s30] =	stream.linear.scatter [tilespmem:s18], [sflag:$0x6], $0x4000, $0x38;
	[tilespmem:$0x1C880] =	vst v63  }
0xdd: {  	v10 =	vld.msk [tilespmem:s21+$0x0], $0xf;
	_ =	sdelay $0x4  }
0xde: {  	v11 =	vshll.u32 v10, $0x5  }
0xdf: {  	v10 =	vand.u32 $0x7, v10;
	v11 =	vand.u32 $0xFFFFFF00, v11  }
0xe0: {  	v10 =	vor.u32 v10, v11  }
0xe1: {  	v10 =	vperm.xlane v10, v1  }
0xe2: {  	(v2sf) =	vpush v5, $0x4  }
0xe3: {  	v10 =	vadd.s32 v2, v10;
	_ =	sdelay $0x3  }
0xe4: {  	s16 =	simm.s32 $0x10700  }
0xe5: {  	[tilespmem:s16], [sflag:$0x4] =	stream.indirect_vreg.gather [hbm4b:s12+s4], $0x80, v10, vm0, $0xb8;
	[tilespmem:$0x1C880] =	vst v63  }
0xe6: {  	s15 =	rddreg [dreg:$0xe]  }
0xe7: {  	(v2sf) =	vpush v5, $0x5;
	[tilespmem:s15], [sflag:$0x4] =	stream.indirect_vreg.gather [hbm4b:s13+s4], $0x80, v10, vm0, $0xb8;
	[tilespmem:$0x1C880] =	vst v63  }
0xe8: {  	s18 =	rddreg [dreg:$0xf]  }
0xe9: {  	[tilespmem:s18], [sflag:$0x4] =	stream.indirect_vreg.gather [hbm4b:s14+s4], $0x80, v10, vm0, $0xb8;
	[tilespmem:$0x1C880] =	vst v63  }
0xea: {  	s24 =	rddreg [dreg:$0x10]  }
0xeb: {  	[tilespmem:s24], [sflag:$0x4] =	stream.indirect_vreg.gather [hbm4b:s9+s4], $0x80, v10, vm0, $0xb8;
	[tilespmem:$0x1C880] =	vst v63  }
0xec: {  	s25 =	rddreg [dreg:$0x11]  }
0xed: {  	(v2sf) =	vpush v5, $0x6;
	[tilespmem:s25], [sflag:$0x4] =	stream.indirect_vreg.gather [hbm4b:s19+s4], $0x80, v10, vm0, $0xb8;
	[tilespmem:$0x1C880] =	vst v63  }
0xee: {  	s26 =	rddreg [dreg:$0x12];
	s25 =	spop (v2sf)  }
0xef: {  	[tilespmem:s26], [sflag:$0x4] =	stream.indirect_vreg.gather [hbm4b:s22+s4], $0x80, v10, vm0, $0xb8;
	[tilespmem:$0x1C880] =	vst v63  }
0xf0: {  	s1 =	rddreg [dreg:$0x13];
	s7 =	sshra.s32 s25, $0x1F  }
0xf1: {  	(v2sf) =	vpush v5, $0x7;
	[tilespmem:s1], [sflag:$0x4] =	stream.indirect_vreg.gather [hbm4b:s17+s4], $0x80, v10, vm0, $0xb8;
	[tilespmem:$0x1C880] =	vst v63  }
0xf2: {  	s10 =	smov.u32 s3;
	s3 =	rddreg [dreg:$0x14];
	s5 =	sshrl.u32 s7, $0x1C  }
0xf3: {  	[tilespmem:s3], [sflag:$0x4] =	stream.indirect_vreg.gather [hbm4b:s8+s4], $0x80, v10, vm0, $0xb8;
	[tilespmem:$0x1C880] =	vst v63  }
0xf4: {  	s6 =	smov.u32 s19;
	s19 =	smov.u32 s8;
	s8 =	sadd.s32 s5, s25  }
0xf5: {  	s11 =	smov.u32 s22;
	s5 =	sand.u32 $0xFFFFFFF0, s8  }
0xf6: {  	p3 =	slt.s32 s25, $0x1;
	p4 =	sne.s32 s25, s5;
	s5 =	spop (v2sf)  }
0xf7: {  	s18 =	simm.s32 $0x1;
	p1 =	por !p3, !p4;
	s15 =	sshra.s32 s5, $0x1F  }
0xf8: {  	s7 =	sshra.s32 s8, $0x4;
	p1 =	por !p1, !p1;
	s16 =	sshrl.u32 s15, $0x1C  }
0xf9: {  	p5 =	slt.s32 s5, $0x1;
	s18 =	simm.s32 @!p1 $0x0;
	s16 =	sadd.s32 s16, s5  }
0xfa: {  	s7 =	ssub.s32 s7, s18;
	s22 =	sand.u32 $0xFFFFFFF0, s16;
	s16 =	sshra.s32 s16, $0x4  }
0xfb: {  	s24 =	sshll.u32 s7, $0x4;
	p6 =	sne.s32 s5, s22;
	s7 =	sshll.u32 s7, $0x6  }
0xfc: {  	s22 =	spop (v2sf);
	s26 =	sand.u32 $0x70, s24;
	p1 =	por !p5, !p6  }
0xfd: {  	s24 =	simm.s32 $0x1;
	s7 =	sand.u32 $0xFFFFFE00, s7;
	p1 =	por !p1, !p1  }
0xfe: {  	s1 =	sshra.s32 s22, $0x1F;
	p3 =	slt.s32 s22, $0x1;
	s24 =	simm.s32 @!p1 $0x0  }
0xff: {  	s18 =	sor.u32 s26, s7;
	s16 =	ssub.s32 s16, s24;
	s24 =	sshrl.u32 s1, $0x1C  }
0x100: {  	s7 =	spop (v2sf);
	s26 =	simm.s32 $0x1;
	s24 =	sadd.s32 s24, s22  }
0x101: {  	s31 =	sshra.s32 s7, $0x1F;
	p5 =	slt.s32 s7, $0x1;
	s29 =	sand.u32 $0xFFFFFFF0, s24  }
0x102: {  	s8 =	sshll.u32 s16, $0x4;
	p4 =	sne.s32 s22, s29;
	s29 =	sshrl.u32 s31, $0x1C  }
0x103: {  	s16 =	sshll.u32 s16, $0x6;
	s15 =	sand.u32 $0x70, s8;
	s29 =	sadd.s32 s29, s7  }
0x104: {  	s16 =	sand.u32 $0xFFFFFE00, s16;
	p1 =	por !p3, !p4;
	s1 =	sand.u32 $0xFFFFFFF0, s29  }
0x105: {  	s31 =	simm.s32 $0x1;
	p1 =	por !p1, !p1;
	p6 =	sne.s32 s7, s1  }
0x106: {  	s24 =	sshra.s32 s24, $0x4;
	s31 =	simm.s32 @!p1 $0x0;
	p2 =	por !p5, !p6  }
0x107: {  	s16 =	sor.u32 s15, s16;
	s24 =	ssub.s32 s24, s31;
	p1 =	por !p2, !p2  }
0x108: {  	s29 =	sshra.s32 s29, $0x4;
	s31 =	sshll.u32 s24, $0x4;
	s26 =	simm.s32 @!p1 $0x0  }
0x109: {  	s24 =	sshll.u32 s24, $0x6;
	s31 =	sand.u32 $0x70, s31;
	s26 =	ssub.s32 s29, s26  }
0x10a: {  	v13 =	vld [tilespmem:s18+$0x8700];
	s8 =	sand.u32 $0xFFFFFE00, s24;
	s15 =	sshll.u32 s26, $0x4;
	s26 =	sshll.u32 s26, $0x6  }
0x10b: {  	v12 =	vld [tilespmem:s16+$0x8780];
	s1 =	sor.u32 s31, s8;
	s8 =	sand.u32 $0x70, s15;
	s15 =	sand.u32 $0xFFFFFE00, s26  }
0x10c: {  	s3 =	simm.s32 $0x4;
	v56 =	vld [tilespmem:s1+$0x8800];
	s1 =	simm.s32 $0x6;
	s26 =	sor.u32 s8, s15  }
0x10d: {  	s18 =	sshrl.u32 s30, $0x3;
	s15 =	sor.u32 $0x1C0A, s0;
	v10 =	vld [tilespmem:s26+$0x8880];
	_ =	swait.ge [sflag:s1], $0x4000  }
0x10e: {  	s24 =	simm.s32 $0x80;
	s8 =	sadd.s32 $0x40, s10;
	[smem:$0x7F5] =	sst s15  }
0x10f: {  	s26 =	simm.s32 $0x40;
	[sflag:s1] =	ssyncset.done $0x0;
	[smem:$0x7F6] =	sst s18  }
0x110: {  	[sflag:s1] =	ssyncadd.s32 $0xFFFFC000;
	s1 =	smov.u32 s10;
	s10 =	simm.s32 $0x3  }
0x111: {  	[hbm:s8@s24], [sflag:s15] =	dma.strided [spmem:s18@s26], $0x800, s3, $0x10   }
0x112: {  	_ =	swait.ge [sflag:s10], $0x4000  }
0x113: {  	[sflag:s10] =	ssyncset.done $0x0  }
0x114: {  	s15 =	simm.s32 $0x9;
	[sflag:s10] =	ssyncadd.s32 $0xFFFFC000  }
0x115: {  	_ =	swait.ge [sflag:s15], $0x800  }
0x116: {  	s16 =	sld [smem:$0x7FD]  }
0x117: {  	[sflag:s15] =	ssyncset.done $0x0  }
0x118: {  	s4 =	simm.s32 $0xC700;
	p1 =	seq.s32 s20, $0x3E000;
	[sflag:s15] =	ssyncadd.s32 $0xFFFFF800  }
0x119: {  	[spmem:s16] =	stream.linear.scatter [tilespmem:s4], [sflag:$0x7], $0x4000, $0x38;
	[tilespmem:$0x1C880] =	vst v63  }
0x11a: {  	v14 =	vld.msk @!p1 [tilespmem:s21+$0x80], $0xf;
	_ =	sdelay $0x4  }
0x11b: {  	v15 =	vshll.u32 @!p1 v14, $0x5  }
0x11c: {  	v16 =	vlaneseq.u32 @!p1;
	v14 =	vand.u32 @!p1 $0x7, v14;
	v15 =	vand.u32 @!p1 $0xFFFFFF00, v15  }
0x11d: {  	v18 =	vand.u32 @!p1 $0x3, v16;
	v14 =	vor.u32 @!p1 v14, v15;
	v15 =	vshrl.u32 @!p1 v16, $0x2  }
0x11e: {  	v14 =	vperm.xlane @!p1 v14, v18;
	v19 =	vmul.u32 @!p1 $0x8, v15;
	_ =	sdelay $0x1  }
0x11f: {  	v14 =	vadd.s32 @!p1 v19, v14;
	_ =	sdelay $0x3  }
0x120: {  	vm1 =	vmmov @!p1 $0xffff;
	s0 =	simm.s32 @!p1 $0x4700;
	s24 =	simm.s32 @!p1 $0x0  }
0x121: {  	(v2sf) =	vpush v5, $0x8;
	[tilespmem:s0], [sflag:$0x1] =	stream.indirect_vreg.gather @!p1 [hbm4b:s12+s24], $0x80, v14, vm1, $0xb8;
	[tilespmem:$0x1C880] =	vst v63  }
0x122: {  	s0 =	simm.s32 @!p1 $0x4F00  }
0x123: {  	[tilespmem:s0], [sflag:$0x1] =	stream.indirect_vreg.gather @!p1 [hbm4b:s13+s24], $0x80, v14, vm1, $0xb8;
	[tilespmem:$0x1C880] =	vst v63  }
0x124: {  	s0 =	simm.s32 @!p1 $0x5700  }
0x125: {  	[tilespmem:s0], [sflag:$0x1] =	stream.indirect_vreg.gather @!p1 [hbm4b:s14+s24], $0x80, v14, vm1, $0xb8;
	[tilespmem:$0x1C880] =	vst v63  }
0x126: {  	(v2sf) =	vpush v5, $0x9;
	s0 =	simm.s32 @!p1 $0x5F00  }
0x127: {  	[tilespmem:s0], [sflag:$0x1] =	stream.indirect_vreg.gather @!p1 [hbm4b:s9+s24], $0x80, v14, vm1, $0xb8;
	[tilespmem:$0x1C880] =	vst v63  }
0x128: {  	s0 =	simm.s32 @!p1 $0x6700  }
0x129: {  	[tilespmem:s0], [sflag:$0x1] =	stream.indirect_vreg.gather @!p1 [hbm4b:s6+s24], $0x80, v14, vm1, $0xb8;
	[tilespmem:$0x1C880] =	vst v63  }
0x12a: {  	s0 =	simm.s32 @!p1 $0x6F00  }
0x12b: {  	[tilespmem:s0], [sflag:$0x1] =	stream.indirect_vreg.gather @!p1 [hbm4b:s11+s24], $0x80, v14, vm1, $0xb8;
	[tilespmem:$0x1C880] =	vst v63  }
0x12c: {  	s0 =	simm.s32 @!p1 $0x7700  }
0x12d: {  	[tilespmem:s0], [sflag:$0x1] =	stream.indirect_vreg.gather @!p1 [hbm4b:s17+s24], $0x80, v14, vm1, $0xb8;
	[tilespmem:$0x1C880] =	vst v63  }
0x12e: {  	(v2sf) =	vpush v5, $0xA;
	s0 =	simm.s32 @!p1 $0x7F00  }
0x12f: {  	[tilespmem:s0], [sflag:$0x1] =	stream.indirect_vreg.gather @!p1 [hbm4b:s19+s24], $0x80, v14, vm1, $0xb8;
	[tilespmem:$0x1C880] =	vst v63  }
0x130: {  	s0 =	spop (v2sf);
	(v2sf) =	vpush v5, $0xB;
	_ =	sdelay $0x1  }
0x131: {  	s18 =	sshra.s32 s0, $0x1F  }
0x132: {  	s29 =	smov.u32 s19;
	s26 =	smov.u32 s17;
	s16 =	sshrl.u32 s18, $0x1C  }
0x133: {  	s15 =	smov.u32 s11;
	s6 =	smov.u32 s30;
	s16 =	sadd.s32 s16, s0  }
0x134: {  	p3 =	slt.s32 s0, $0x1;
	s31 =	spop (v2sf);
	s19 =	sand.u32 $0xFFFFFFF0, s16  }
0x135: {  	s18 =	simm.s32 $0x1;
	s4 =	sshra.s32 s31, $0x1F;
	p4 =	sne.s32 s0, s19  }
0x136: {  	p5 =	slt.s32 s31, $0x1;
	s17 =	sshrl.u32 s4, $0x1C;
	p2 =	por !p3, !p4  }
0x137: {  	s4 =	smov.u32 s9;
	s17 =	sadd.s32 s17, s31;
	p2 =	por !p2, !p2  }
0x138: {  	s16 =	sshra.s32 s16, $0x4;
	s8 =	sand.u32 $0xFFFFFFF0, s17;
	s18 =	simm.s32 @!p2 $0x0  }
0x139: {  	s17 =	sshra.s32 s17, $0x4;
	p6 =	sne.s32 s31, s8;
	s16 =	ssub.s32 s16, s18  }
0x13a: {  	p2 =	por !p5, !p6;
	s18 =	sshll.u32 s16, $0x4;
	s16 =	sshll.u32 s16, $0x6  }
0x13b: {  	p2 =	por !p2, !p2;
	s18 =	sand.u32 $0x70, s18;
	s16 =	sand.u32 $0xFFFFFE00, s16  }
0x13c: {  	s30 =	sor.u32 s18, s16;
	s18 =	simm.s32 $0x1;
	s16 =	spop (v2sf)  }
0x13d: {  	s18 =	simm.s32 @!p2 $0x0;
	s9 =	sshra.s32 s16, $0x1F;
	p3 =	slt.s32 s16, $0x1  }
0x13e: {  	s17 =	ssub.s32 s17, s18;
	s8 =	sshrl.u32 s9, $0x1C;
	s18 =	spop (v2sf)  }
0x13f: {  	s10 =	sshll.u32 s17, $0x4;
	s8 =	sadd.s32 s8, s16;
	s11 =	sshra.s32 s18, $0x1F  }
0x140: {  	s9 =	sand.u32 $0x70, s10;
	s19 =	sand.u32 $0xFFFFFFF0, s8;
	p6 =	slt.s32 s18, $0x1  }
0x141: {  	s8 =	sshra.s32 s8, $0x4;
	s10 =	sshrl.u32 s11, $0x1C;
	p4 =	sne.s32 s16, s19  }
0x142: {  	s11 =	sshll.u32 s17, $0x6;
	s17 =	simm.s32 $0x1;
	s10 =	sadd.s32 s10, s18  }
0x143: {  	p2 =	por !p3, !p4;
	s11 =	sand.u32 $0xFFFFFE00, s11;
	s19 =	sand.u32 $0xFFFFFFF0, s10  }
0x144: {  	p2 =	por !p2, !p2;
	s9 =	sor.u32 s9, s11;
	p5 =	sne.s32 s18, s19  }
0x145: {  	s11 =	simm.s32 $0x1;
	s17 =	simm.s32 @!p2 $0x0;
	p2 =	por !p6, !p5  }
0x146: {  	s10 =	sshra.s32 s10, $0x4;
	s8 =	ssub.s32 s8, s17;
	p2 =	por !p2, !p2  }
0x147: {  	s19 =	smov.u32 s4;
	s17 =	sshll.u32 s8, $0x4;
	s11 =	simm.s32 @!p2 $0x0  }
0x148: {  	s8 =	sshll.u32 s8, $0x6;
	s17 =	sand.u32 $0x70, s17;
	s10 =	ssub.s32 s10, s11  }
0x149: {  	v17 =	vld [tilespmem:s30+$0xC700];
	s8 =	sand.u32 $0xFFFFFE00, s8;
	s4 =	sshll.u32 s10, $0x4;
	s10 =	sshll.u32 s10, $0x6  }
0x14a: {  	v57 =	vld [tilespmem:s9+$0xC780];
	s8 =	sor.u32 s17, s8;
	s11 =	sand.u32 $0x70, s4;
	s10 =	sand.u32 $0xFFFFFE00, s10  }
0x14b: {  	s30 =	simm.s32 $0x7;
	v58 =	vld [tilespmem:s8+$0xC800];
	s17 =	sor.u32 s11, s10  }
0x14c: {  	v14 =	vld [tilespmem:s17+$0xC880];
	_ =	swait.ge [sflag:s30], $0x4000  }
0x14d: {  	s11 =	sld [smem:$0x7F2]  }
0x14e: {  	s17 =	sld [smem:$0x7F3]  }
0x14f: {  	s9 =	simm.s32 $0x80;
	[sflag:s30] =	ssyncset.done $0x0  }
0x150: {  	s4 =	sadd.s32 $0x1000, s1;
	s10 =	simm.s32 $0x40;
	[sflag:s30] =	ssyncadd.s32 $0xFFFFC000  }
0x151: {  	[hbm:s4@s9], [sflag:s11] =	dma.strided [spmem:s17@s10], $0x800, s3, $0x10   }
0x152: {  	_ =	swait.ge [sflag:s3], $0x4000  }
0x153: {  	[sflag:s3] =	ssyncset.done $0x0  }
0x154: {  	s4 =	simm.s32 $0xA;
	[sflag:s3] =	ssyncadd.s32 $0xFFFFC000  }
0x155: {  	_ =	swait.ge [sflag:s4], $0x800  }
0x156: {  	[sflag:s4] =	ssyncset.done $0x0  }
0x157: {  	s8 =	simm.s32 $0x10700;
	[sflag:s4] =	ssyncadd.s32 $0xFFFFF800  }
0x158: {  	[spmem:s6] =	stream.linear.scatter [tilespmem:s8], [sflag:$0x8], $0x4000, $0x38;
	[tilespmem:$0x1C880] =	vst v63  }
0x159: {  	v20 =	vld.msk @!p1 [tilespmem:s21+$0x100], $0xf;
	_ =	sdelay $0x4  }
0x15a: {  	v21 =	vshll.u32 @!p1 v20, $0x5  }
0x15b: {  	v20 =	vand.u32 @!p1 $0x7, v20;
	v21 =	vand.u32 @!p1 $0xFFFFFF00, v21  }
0x15c: {  	v20 =	vor.u32 @!p1 v20, v21  }
0x15d: {  	v18 =	vperm.xlane @!p1 v20, v18;
	_ =	sdelay $0x1  }
0x15e: {  	v18 =	vadd.s32 @!p1 v19, v18;
	_ =	sdelay $0x3  }
0x15f: {  	s6 =	simm.s32 @!p1 $0x8700  }
0x160: {  	(v2sf) =	vpush v5, $0xC;
	[tilespmem:s6], [sflag:$0x2] =	stream.indirect_vreg.gather @!p1 [hbm4b:s12+s24], $0x80, v18, vm1, $0xb8;
	[tilespmem:$0x1C880] =	vst v63  }
0x161: {  	s2 =	sand.u32 $0xF, s2;
	s7 =	sand.u32 $0xF, s7;
	s6 =	simm.s32 @!p1 $0x8F00  }
0x162: {  	[tilespmem:s6], [sflag:$0x2] =	stream.indirect_vreg.gather @!p1 [hbm4b:s13+s24], $0x80, v18, vm1, $0xb8;
	[tilespmem:$0x1C880] =	vst v63  }
0x163: {  	v59 =	vmov s2;
	s20 =	sadd.s32 $0x2000, s20;
	s2 =	sand.u32 $0xF, s0;
	s6 =	simm.s32 @!p1 $0x9700  }
0x164: {  	(v2sf) =	vpush v5, $0xD;
	[tilespmem:s6], [sflag:$0x2] =	stream.indirect_vreg.gather @!p1 [hbm4b:s14+s24], $0x80, v18, vm1, $0xb8;
	[tilespmem:$0x1C880] =	vst v63  }
0x165: {  	s0 =	simm.s32 $0x1;
	s30 =	smov.u32 s1;
	s6 =	simm.s32 @!p1 $0x9F00  }
0x166: {  	[tilespmem:s6], [sflag:$0x2] =	stream.indirect_vreg.gather @!p1 [hbm4b:s19+s24], $0x80, v18, vm1, $0xb8;
	[tilespmem:$0x1C880] =	vst v63  }
0x167: {  	s17 =	sand.u32 $0xF, s25;
	s1 =	rddreg [dreg:$0x1e];
	(v2sf) =	vpush v5, $0xE;
	s6 =	simm.s32 @!p1 $0xA700  }
0x168: {  	[tilespmem:s6], [sflag:$0x2] =	stream.indirect_vreg.gather @!p1 [hbm4b:s1+s24], $0x80, v18, vm1, $0xb8;
	[tilespmem:$0x1C880] =	vst v63  }
0x169: {  	s25 =	simm.s32 $0x4;
	s11 =	sld [smem:$0x7F4];
	s6 =	simm.s32 @!p1 $0xAF00  }
0x16a: {  	[tilespmem:s6], [sflag:$0x2] =	stream.indirect_vreg.gather @!p1 [hbm4b:s15+s24], $0x80, v18, vm1, $0xb8;
	[tilespmem:$0x1C880] =	vst v63  }
0x16b: {  	s3 =	simm.s32 $0x8;
	s21 =	sadd.s32 $0x200, s21;
	s6 =	simm.s32 @!p1 $0xB700  }
0x16c: {  	[tilespmem:s6], [sflag:$0x2] =	stream.indirect_vreg.gather @!p1 [hbm4b:s26+s24], $0x80, v18, vm1, $0xb8;
	[tilespmem:$0x1C880] =	vst v63  }
0x16d: {  	s12 =	sand.u32 $0xF, s11;
	s11 =	stileid.u32;
	s6 =	simm.s32 @!p1 $0xBF00  }
0x16e: {  	[tilespmem:s6], [sflag:$0x2] =	stream.indirect_vreg.gather @!p1 [hbm4b:s29+s24], $0x80, v18, vm1, $0xb8;
	[tilespmem:$0x1C880] =	vst v63  }
0x16f: {  	s13 =	sand.u32 $0xF, s28;
	s14 =	sand.u32 $0xF, s23;
	s24 =	spop (v2sf);
	(v2sf) =	vpush v5, $0xF  }
0x170: {  	s23 =	sand.u32 $0xF, s22;
	s22 =	simm.s32 $0xC700;
	v5 =	vmov s12;
	s9 =	sshra.s32 s24, $0x1F  }
0x171: {  	s19 =	sand.u32 $0xF, s5;
	s5 =	sand.u32 $0xF, s31;
	vm1 =	veq.s32 v5, v0;
	s6 =	sshrl.u32 s9, $0x1C  }
0x172: {  	s31 =	simm.s32 $0x2;
	s1 =	sand.u32 $0xF, s16;
	v5 =	vnsel vm1, $0x0, v9;
	s10 =	sadd.s32 s6, s24  }
0x173: {  	s15 =	spop (v2sf);
	p4 =	slt.s32 s24, $0x1;
	vm1 =	veq.s32 v59, v0;
	v4 =	vadd.f32 v5, v4;
	s6 =	sand.u32 $0xFFFFFFF0, s10  }
0x174: {  	v60 =	vmov s13;
	s26 =	sshra.s32 s15, $0x1F;
	p5 =	slt.s32 s15, $0x1;
	v5 =	vnsel vm1, $0x0, v8;
	p3 =	sne.s32 s24, s6  }
0x175: {  	vm1 =	veq.s32 v60, v0;
	s28 =	sshrl.u32 s26, $0x1C;
	s8 =	sshra.s32 s10, $0x4;
	v4 =	vadd.f32 v5, v4;
	p1 =	por !p4, !p3  }
0x176: {  	s10 =	simm.s32 $0x1;
	s6 =	spop (v2sf);
	v5 =	vnsel vm1, $0x0, v7;
	v7 =	vmov s14;
	p1 =	por !p1, !p1  }
0x177: {  	vm1 =	veq.s32 v7, v0;
	s13 =	sshra.s32 s6, $0x1F;
	p4 =	slt.s32 s6, $0x1;
	v4 =	vadd.f32 v5, v4;
	s0 =	simm.s32 @!p1 $0x0  }
0x178: {  	v5 =	vmov s17;
	v6 =	vnsel vm1, $0x0, v6;
	s17 =	sand.u32 $0xF, s18;
	s0 =	ssub.s32 s8, s0;
	s8 =	sadd.s32 s28, s15  }
0x179: {  	vm1 =	veq.s32 v5, v0;
	v4 =	vadd.f32 v6, v4;
	s4 =	sshll.u32 s0, $0x4;
	s0 =	sshll.u32 s0, $0x6;
	s12 =	sand.u32 $0xFFFFFFF0, s8  }
0x17a: {  	v5 =	vnsel vm1, $0x0, v13;
	v6 =	vmov s19;
	s9 =	sand.u32 $0x70, s4;
	s0 =	sand.u32 $0xFFFFFE00, s0;
	p6 =	sne.s32 s15, s12  }
0x17b: {  	vm1 =	veq.s32 v6, v0;
	v4 =	vadd.f32 v5, v4;
	s9 =	sor.u32 s9, s0;
	p1 =	por !p5, !p6;
	s0 =	sshrl.u32 s13, $0x1C  }
0x17c: {  	s8 =	sshra.s32 s8, $0x4;
	v6 =	vmov s23;
	v5 =	vnsel vm1, $0x0, v12;
	p1 =	por !p1, !p1;
	s14 =	sadd.s32 s0, s6  }
0x17d: {  	vm1 =	veq.s32 v6, v0;
	v4 =	vadd.f32 v5, v4;
	v5 =	vmov s7;
	s7 =	simm.s32 $0x1;
	s10 =	simm.s32 @!p1 $0x0;
	s23 =	sand.u32 $0xFFFFFFF0, s14  }
0x17e: {  	v6 =	vnsel vm1, $0x0, v56;
	s14 =	sshra.s32 s14, $0x4;
	s8 =	ssub.s32 s8, s10;
	s0 =	spop (v2sf)  }
0x17f: {  	vm1 =	veq.s32 v5, v0;
	p3 =	sne.s32 s6, s23;
	v4 =	vadd.f32 v6, v4;
	s26 =	sshll.u32 s8, $0x4;
	s28 =	sshra.s32 s0, $0x1F  }
0x180: {  	v5 =	vmov s2;
	v6 =	vnsel vm1, $0x0, v10;
	s8 =	sshll.u32 s8, $0x6;
	p1 =	por !p4, !p3;
	s10 =	sshrl.u32 s28, $0x1C  }
0x181: {  	vm1 =	veq.s32 v5, v0;
	p6 =	slt.s32 s0, $0x1;
	s4 =	sand.u32 $0x70, s26;
	v4 =	vadd.f32 v6, v4;
	s10 =	sadd.s32 s10, s0  }
0x182: {  	v5 =	vmov s5;
	s8 =	sand.u32 $0xFFFFFE00, s8;
	p1 =	por !p1, !p1;
	v6 =	vnsel vm1, $0x0, v17;
	s13 =	sand.u32 $0xFFFFFFF0, s10  }
0x183: {  	vm1 =	veq.s32 v5, v0;
	s12 =	sor.u32 s4, s8;
	s7 =	simm.s32 @!p1 $0x0;
	v4 =	vadd.f32 v6, v4;
	p5 =	sne.s32 s0, s13  }
0x184: {  	v5 =	vnsel vm1, $0x0, v57;
	s4 =	sand.u32 $0xF, s24;
	s5 =	ssub.s32 s14, s7;
	v6 =	vmov s1;
	p1 =	por !p6, !p5  }
0x185: {  	v7 =	vld [tilespmem:s9+$0x10700];
	s7 =	simm.s32 $0x1;
	s26 =	sshra.s32 s10, $0x4;
	vm1 =	veq.s32 v6, v0;
	v4 =	vadd.f32 v5, v4;
	p1 =	por !p1, !p1  }
0x186: {  	s23 =	sshll.u32 s5, $0x4;
	s5 =	sshll.u32 s5, $0x6;
	v5 =	vmov s17;
	v6 =	vnsel vm1, $0x0, v58;
	s7 =	simm.s32 @!p1 $0x0  }
0x187: {  	s1 =	sand.u32 $0x70, s23;
	s5 =	sand.u32 $0xFFFFFE00, s5;
	vm1 =	veq.s32 v5, v0;
	v5 =	vld [tilespmem:s12+$0x10780];
	v4 =	vadd.f32 v6, v4;
	s7 =	ssub.s32 s26, s7  }
0x188: {  	s1 =	sor.u32 s1, s5;
	v6 =	vmov s4;
	v61 =	vnsel vm1, $0x0, v14;
	s28 =	sshll.u32 s7, $0x4;
	s7 =	sshll.u32 s7, $0x6  }
0x189: {  	s14 =	sand.u32 $0xF, s15;
	v62 =	vld [tilespmem:s1+$0x10800];
	vm1 =	veq.s32 v6, v0;
	v4 =	vadd.f32 v61, v4;
	s2 =	sand.u32 $0x70, s28;
	s10 =	sand.u32 $0xFFFFFE00, s7  }
0x18a: {  	s16 =	simm.s32 $0x4700;
	s29 =	simm.s32 $0x40;
	v63 =	vmov s14;
	v7 =	vnsel vm1, $0x0, v7;
	s12 =	sor.u32 s2, s10  }
0x18b: {  	s18 =	simm.s32 $0x8700;
	s9 =	sld [smem:$0x7FD];
	s15 =	sand.u32 $0xF, s6;
	vm1 =	veq.s32 v63, v0;
	v4 =	vadd.f32 v7, v4;
	v6 =	vld [tilespmem:s12+$0x10880]  }
0x18c: {  	s13 =	rddreg [dreg:$0x1d];
	p1 =	sne.s32 s20, $0x40000;
	v7 =	vmov s15;
	v5 =	vnsel vm1, $0x0, v5;
	_ =	swait.ge [sflag:s3], $0x4000  }
.Ltmp0:
0x18d: {  	s0 =	sand.u32 $0xF, s0;
	vm1 =	veq.s32 v7, v0;
	v4 =	vadd.f32 v5, v4;
	s28 =	sld [smem:$0x7F5];
	(pc) =	sbr.rel @p1 .LBB2_2-.Ltmp0, $4  }
0x18e: {  	s19 =	simm.s32 $0x1;
	s17 =	sadd.s32 $0x1040, s30;
	s30 =	sld [smem:$0x7F6];
	v5 =	vmov s0;
	v7 =	vnsel vm1, $0x0, v62  }
0x18f: {  	s24 =	simm.s32 $0x5;
	s23 =	simm.s32 $0x40;
	[sflag:s3] =	ssyncset.done $0x0;
	vm1 =	veq.s32 v5, v0;
	v4 =	vadd.f32 v7, v4  }
0x190: {  	s5 =	sadd.s32 $0x10, s13;
	s26 =	simm.s32 $0x80;
	[sflag:s3] =	ssyncadd.s32 $0xFFFFC000;
	v5 =	vnsel vm1, $0x0, v6  }
0x191: {  	[hbm:s17@s26], [sflag:s28] =	dma.strided [spmem:s30@s23], $0x800, s25, $0x10 ;
	v4 =	vadd.f32 v5, v4  }
0x192: {  	s0 =	simm.s32 $0x9  }
0x193: {  	_ =	swait.ge [sflag:s0], $0x800  }
0x194: {  	[sflag:s0] =	ssyncset.done $0x0  }
0x195: {  	s20 =	simm.s32 $0xA;
	[sflag:s0] =	ssyncadd.s32 $0xFFFFF800  }
0x196: {  	_ =	swait.ge [sflag:s20], $0x800  }
0x197: {  	[sflag:s20] =	ssyncset.done $0x0  }
0x198: {  	s21 =	simm.s32 $0x0;
	[sflag:s20] =	ssyncadd.s32 $0xFFFFF800  }
0x199: {  	s2 =	simm.s32 $0x14700;
	s15 =	simm.s32 $0xC;
	s1 =	rddreg [dreg:$0x19];
	[tilespmem:$0x14700] =	vst v4  }
0x19a: {  	[hbm4b:s1+s21] =	stream.linear.scatter [tilespmem:s2], [sflag:$0xC], $0x80, $0x38;
	[tilespmem:$0x1C880] =	vst v63  }
0x19b: {  	_ =	swait.ge [sflag:s15], $0x80  }
0x19c: {  	[sflag:s15] =	ssyncset.done $0x0  }
0x19d: {  	s23 =	simm.s32 $0xB;
	[sflag:s15] =	ssyncadd.s32 $0xFFFFFF80  }
0x19e: {  	_ =	swait.ge [sflag:s23], $0x200  }
0x19f: {  	[sflag:s23] =	ssyncset.done $0x0  }
0x1a0: {  	[sflag:s23] =	ssyncadd.s32 $0xFFFFFE00  }
0x1a1: {  	s3 =	simm.s32 @!p0 $0x10;
	[bflag:$0x0] =	sbarrier.arrive $0xFFFF  }
0x1a2: {  	s5 =	simm.s32 @!p0 $0x1C0C;
	s1 =	simm.s32 @!p0 $0x1;
	s10 =	rddreg [dreg:$0x3]  }
0x1a3: {  	s2 =	simm.s32 @!p0 $0x20;
	s4 =	rddreg [dreg:$0x1a];
	s0 =	sshrl.u32 @!p0 s10, $0x3  }
0x1a4: {  	[hbm:s4@s2], [sflag:s5] =	dma.strided @!p0 [spmem:s0@s3], $0x200, s1, $0x10   }
0x1a5: {  	s0 =	simm.s32 @!p0 $0xC  }
0x1a6: {  	_ =	swait.ge @!p0 [sflag:s0], $0x200  }
0x1a7: {  	s28 =	rddreg [dreg:$0x1c]  }
0x1a8: {  	s30 =	rddreg [dreg:$0x1b];
	s2 =	sadd.s32 $0x1, s28  }
0x1a9: {  	p1 =	sne.s32 s2, s30  }
.Ltmp1:
0x1aa: {  	_ = 	snop;
	(pc) =	sbr.rel @p1 .LBB2_1-.Ltmp1, $4  }
0x1ab: {  	s4 =	rddreg [dreg:$0x1e]  }
0x1ac: {  	s6 =	rddreg [dreg:$0x1f]  }
0x1ad: {  	[sflag:s0] =	ssyncset.done @!p0 $0x0;
	s7 =	sld [smem:$0x7FB]  }
0x1ae: {  	s8 =	sld [smem:$0x7FC];
	[sflag:s0] =	ssyncadd.s32 @!p0 $0xFFFFFE00  }
0x1af: {  	_ =	sfence.sel $0x180000  }
0x1b0: {  	[bflag:$0x0] =	sbarrier.arrive $0xFFFF  }
0x1b1: {  	_ =	strace $0x90000047  }
0x1b2: {  	[bflag:$0x2] =	sbarrier.arrive $0xFFFF  }
0x1b3: {  	s0 =	rddreg [dreg:$0x5]  }
0x1b4: {  	s0 =	sadd.s32 @!p0 $0x100000, s0  }
0x1b5: {  	[sflag:s0] =	ssyncadd.tile.s32 @!p0 $0x1;
	_ =	shalt  }
.Lfunc_end2:
_tile_overlayer_lowered:
.L_overlay_start_2:
0x1b6: {  	(tag) =	ssettag $0x2  }
0x1b7: {  	s0 =	rddreg [dreg:$0x0];
	s2 =	stileid.u32  }
0x1b8: {  	s1 =	rddreg [dreg:$0x1];
	p0 =	sne.s32 s2, $0x0  }
0x1b9: {  	s3 =	rddreg [dreg:$0x2];
	[bflag:$0x3] =	sbarrier.arrive $0xFFFF;
	s2 =	simm.s32 @!p0 $0x1C0C  }
0x1ba: {  	[timem:s3], [sflag:s2] =	dma.local @!p0 [hbm:s0], s1  }
0x1bb: {  	s0 =	simm.s32 @!p0 $0xC  }
0x1bc: {  	_ =	swait.ge @!p0 [sflag:s0], s1  }
0x1bd: {  	s1 =	ssub.s32 @!p0 $0x0, s1;
	[sflag:s0] =	ssyncset.done @!p0 $0x0  }
0x1be: {  	[sflag:s0] =	ssyncadd.s32 @!p0 s1  }
0x1bf: {  	[bflag:$0x3] =	sbarrier.arrive $0xFFFF  }
0x1c0: {  	_ =	shalt  }

</sc_bundles>
